<compile_context>
chip_gen: v7x
topology: tpu7x:2x2x1
jax: 0.10.2.dev20260603
libtpu: 0.0.44.dev20260713+nightly
codegen_flags: <defaults>
</compile_context>

<pallas_src>
import functools

import jax
import jax.numpy as jnp
from jax import lax
from jax.experimental import pallas as pl
from jax.experimental.pallas import tpu as pltpu
from jax.experimental.pallas import tpu_sc as plsc

N_NODES = 10000
N_EDGES = 320000
H = 128

NUM_CORES = 2
NUM_SUBCORES = 16
NW = NUM_CORES * NUM_SUBCORES
CHUNK = 128
NBUF = 2
SB = 16
NSB = 10
HH = 64
CPW = SB * NSB
E_PAD = NUM_SUBCORES * CPW * CHUNK
ROWS_PER_TILE = 632
AGG_ROWS = NUM_SUBCORES * ROWS_PER_TILE
N_DEG = 10240

ROW_BLK = 400
N_BLKS = N_NODES // ROW_BLK
ROW_BLK_C = 512
N_BLKS_C = -(-N_NODES // ROW_BLK_C)


def _dense_body(x_ref, w1_ref, b1_ref, wl_ref, bl_ref, wr_ref, g_ref, r_ref):
    h = lax.dot_general(x_ref[...], w1_ref[...], (((1,), (1,)), ((), ())),
                        preferred_element_type=jnp.float32)
    h = jnp.maximum(h + b1_ref[...], 0.0)
    g_ref[...] = lax.dot_general(h, wl_ref[...], (((1,), (1,)), ((), ())),
                                 preferred_element_type=jnp.float32)
    r_ref[...] = lax.dot_general(h, wr_ref[...], (((1,), (1,)), ((), ())),
                                 preferred_element_type=jnp.float32) + bl_ref[...]


def _combine_body(p_ref, d_ref, r_ref, o_ref):
    i = pl.program_id(0)
    s = jnp.concatenate([p_ref[0], p_ref[1]], axis=1)
    dblk = d_ref[:, pl.ds(i * ROW_BLK_C, ROW_BLK_C)]
    deg = jnp.sum(dblk, axis=0).reshape(ROW_BLK_C, 1)
    o_ref[...] = s / jnp.clip(deg, 1.0, None) + r_ref[...]


def _sc_aggregate_body(g_hbm, src_hbm, dst_hbm, zeros_hbm, zdeg_hbm,
                       parts_hbm, degp_hbm,
                       src_v, dst_v, rows_v, deg_v, g_s, agg_s, *sems):
    cid = lax.axis_index("c")
    sid = lax.axis_index("s")
    wid = cid * NUM_SUBCORES + sid
    base = sid * ROWS_PER_TILE

    pltpu.sync_copy(g_hbm.at[pl.ds(base, ROWS_PER_TILE), pl.ds(cid * HH, HH)],
                    g_s.at[pl.ds(base, ROWS_PER_TILE)])
    pltpu.sync_copy(zeros_hbm, agg_s.at[pl.ds(base, ROWS_PER_TILE)])
    pltpu.sync_copy(zdeg_hbm, deg_v)
    plsc.subcore_barrier()

    ones16 = jnp.ones((16,), jnp.float32)

    def deg_update(k):
        for j in range(CHUNK // 16):
            iv = dst_v[k, pl.ds(j * 16, 16)]
            plsc.addupdate_scatter(deg_v, [iv], ones16)

    def stage(s, carry):
        pltpu.sync_copy(src_hbm.at[sid, pl.ds(s * SB, SB)], src_v)
        pltpu.sync_copy(dst_hbm.at[sid, pl.ds(s * SB, SB)], dst_v)
        do_deg = lax.rem(s, 2) == cid
        for l in range(NBUF):
            pltpu.async_copy(g_s.at[src_v.at[l]], rows_v.at[l], sems[l])

        def body(q, c):
            for l in range(NBUF):
                k = NBUF * q + l
                pltpu.make_async_copy(g_s.at[src_v.at[k]],
                                      rows_v.at[l], sems[l]).wait()
                pltpu.sync_copy(rows_v.at[l], agg_s.at[dst_v.at[k]], add=True)

                @pl.when(do_deg)
                def _():
                    deg_update(k)

                @pl.when(k + NBUF < SB)
                def _():
                    pltpu.async_copy(g_s.at[src_v.at[k + NBUF]],
                                     rows_v.at[l], sems[l])
            return c

        return lax.fori_loop(0, SB // NBUF, body, carry)

    lax.fori_loop(0, NSB, stage, 0)

    plsc.subcore_barrier()
    pltpu.sync_copy(agg_s.at[pl.ds(base, ROWS_PER_TILE)],
                    parts_hbm.at[cid, pl.ds(base, ROWS_PER_TILE)])
    pltpu.sync_copy(deg_v, degp_hbm.at[wid])


_sc_aggregate = functools.partial(
    pl.kernel,
    out_type=(jax.ShapeDtypeStruct((NUM_CORES, AGG_ROWS, HH), jnp.float32),
              jax.ShapeDtypeStruct((NW, N_DEG), jnp.float32)),
    mesh=plsc.VectorSubcoreMesh(core_axis_name="c", subcore_axis_name="s"),
    scratch_types=[
        pltpu.VMEM((SB, CHUNK), jnp.int32),
        pltpu.VMEM((SB, CHUNK), jnp.int32),
        pltpu.VMEM((NBUF, CHUNK, HH), jnp.float32),
        pltpu.VMEM((N_DEG,), jnp.float32),
        pltpu.VMEM_SHARED((AGG_ROWS, HH), jnp.float32),
        pltpu.VMEM_SHARED((AGG_ROWS, HH), jnp.float32),
    ] + [pltpu.SemaphoreType.DMA] * NBUF,
    compiler_params=pltpu.CompilerParams(needs_layout_passes=False,
                                         use_tc_tiling_on_sc=False),
)(_sc_aggregate_body)


def kernel(x, edge_index, W1, b1, Wl, bl, Wr):
    src = edge_index[0].astype(jnp.int32)
    dst = edge_index[1].astype(jnp.int32)
    pad = E_PAD - N_EDGES
    src_p = jnp.concatenate([src, jnp.zeros((pad,), jnp.int32)])
    dst_p = jnp.concatenate([dst, jnp.full((pad,), N_NODES, jnp.int32)])
    src_p = src_p.reshape(NUM_SUBCORES, CPW, CHUNK)
    dst_p = dst_p.reshape(NUM_SUBCORES, CPW, CHUNK)
    zeros = jnp.zeros((ROWS_PER_TILE, HH), jnp.float32)
    zdeg = jnp.zeros((N_DEG,), jnp.float32)

    g, r = pl.pallas_call(
        _dense_body,
        grid=(N_BLKS,),
        in_specs=[
            pl.BlockSpec((ROW_BLK, H), lambda i: (i, 0)),
            pl.BlockSpec((H, H), lambda i: (0, 0)),
            pl.BlockSpec((1, H), lambda i: (0, 0)),
            pl.BlockSpec((H, H), lambda i: (0, 0)),
            pl.BlockSpec((1, H), lambda i: (0, 0)),
            pl.BlockSpec((H, H), lambda i: (0, 0)),
        ],
        out_specs=[
            pl.BlockSpec((ROW_BLK, H), lambda i: (i, 0)),
            pl.BlockSpec((ROW_BLK, H), lambda i: (i, 0)),
        ],
        out_shape=[
            jax.ShapeDtypeStruct((AGG_ROWS, H), jnp.float32),
            jax.ShapeDtypeStruct((N_NODES, H), jnp.float32),
        ],
    )(x, W1, b1.reshape(1, H), Wl, bl.reshape(1, H), Wr)

    parts, degp = _sc_aggregate(g, src_p, dst_p, zeros, zdeg)

    out = pl.pallas_call(
        _combine_body,
        grid=(N_BLKS_C,),
        in_specs=[
            pl.BlockSpec((NUM_CORES, ROW_BLK_C, HH), lambda i: (0, i, 0)),
            pl.BlockSpec((NW, N_DEG), lambda i: (0, 0)),
            pl.BlockSpec((ROW_BLK_C, H), lambda i: (i, 0)),
        ],
        out_specs=pl.BlockSpec((ROW_BLK_C, H), lambda i: (i, 0)),
        out_shape=jax.ShapeDtypeStruct((N_NODES, H), jnp.float32),
    )(parts, degp, r)

    return out

# --- scband reference (transcript-rebuilt; emitter-appended) ---
"""Pipeline reference for scband-encoder-new-1176821039652 (READ-ONLY COPY).

The authoritative reference and input builder live on the scoring server;
editing this copy changes nothing except your own understanding.
"""

import jax, jax.numpy as jnp
import numpy as np

N_NODES = 10000
N_EDGES = 320000
X_DIM = 128
HID_DIM = 128

def setup_inputs(seed: int = 0) -> dict:
    key = jax.random.key(seed)
    ks = [jax.random.fold_in(key, i) for i in range(8)]
    x = jax.random.normal(ks[0], (N_NODES, X_DIM), dtype=jnp.float32)
    edge_index = jax.random.randint(ks[1], (2, N_EDGES), 0, N_NODES, dtype=jnp.int64)
    s1 = 1.0 / np.sqrt(X_DIM)
    s2 = 1.0 / np.sqrt(HID_DIM)
    W1 = jax.random.uniform(ks[2], (HID_DIM, X_DIM), minval=-s1, maxval=s1, dtype=jnp.float32)
    b1 = jax.random.uniform(ks[3], (HID_DIM,), minval=-s1, maxval=s1, dtype=jnp.float32)
    Wl = jax.random.uniform(ks[4], (HID_DIM, HID_DIM), minval=-s2, maxval=s2, dtype=jnp.float32)
    bl = jax.random.uniform(ks[5], (HID_DIM,), minval=-s2, maxval=s2, dtype=jnp.float32)
    Wr = jax.random.uniform(ks[6], (HID_DIM, HID_DIM), minval=-s2, maxval=s2, dtype=jnp.float32)
    return {"x": x, "edge_index": edge_index, "W1": W1, "b1": b1, "Wl": Wl, "bl": bl, "Wr": Wr}

def reference(x, edge_index, W1, b1, Wl, bl, Wr):
    # conv1: Linear + ReLU
    h = x @ W1.T + b1
    h = jax.nn.relu(h)
    # SAGEConv with mean aggregation (PyG semantics):
    # out = lin_l(mean_{j in N(i)} h_j) + lin_r(h_i)
    src = edge_index[0]
    dst = edge_index[1]
    msg = jnp.take(h, src, axis=0)                      # gather source node feats [E, H]
    agg = jax.ops.segment_sum(msg, dst, num_segments=N_NODES)
    deg = jax.ops.segment_sum(jnp.ones((N_EDGES,), dtype=h.dtype), dst, num_segments=N_NODES)
    agg = agg / jnp.clip(deg, 1.0, None)[:, None]        # mean aggregation
    out = agg @ Wl.T + bl + h @ Wr.T                     # lin_l (bias) + lin_r (no bias)
    return out

if __name__ == "__main__":
    import jax
    _d = setup_inputs()
    print(jax.jit(kernel)(*tuple(_d.values())))

</pallas_src>

<mosaic_0001>
#map = affine_map<(d0, d1) -> (0, 0)>
#map1 = affine_map<(d0, d1) -> (0, 0, 0)>
#map2 = affine_map<(d0, d1) -> (0)>
module attributes {stable_mosaic.version = 14 : i64} {
  func.func @_sc_aggregate_body(%arg0: i32, %arg1: i32, %arg2: memref<10112x128xf32, #tpu.memory_space<hbm>>, %arg3: memref<16x160x128xi32, #tpu.memory_space<hbm>>, %arg4: memref<16x160x128xi32, #tpu.memory_space<hbm>>, %arg5: memref<632x64xf32, #tpu.memory_space<hbm>>, %arg6: memref<10240xf32, #tpu.memory_space<hbm>>, %arg7: memref<2x10112x64xf32, #tpu.memory_space<hbm>>, %arg8: memref<32x10240xf32, #tpu.memory_space<hbm>>, %arg9: memref<16x128xi32, #tpu.memory_space<vmem>>, %arg10: memref<16x128xi32, #tpu.memory_space<vmem>>, %arg11: memref<2x128x64xf32, #tpu.memory_space<vmem>>, %arg12: memref<10240xf32, #tpu.memory_space<vmem>>, %arg13: memref<10112x64xf32, #tpu.memory_space<vmem_shared>>, %arg14: memref<10112x64xf32, #tpu.memory_space<vmem_shared>>, %arg15: memref<!tpu.dma_semaphore, #tpu.memory_space<semaphore_mem>>, %arg16: memref<!tpu.dma_semaphore, #tpu.memory_space<semaphore_mem>>) attributes {dimension_semantics = [#tpu.dimension_semantics<core_parallel>, #tpu.dimension_semantics<subcore_parallel>], iteration_bounds = array<i64: 2, 16>, scalar_prefetch = 0 : i64, scratch_operands = 8 : i64, tpu.core_type = #tpu.core_type<sc_vector_subcore>, window_params = [{transform_indices = #map}, {transform_indices = #map1}, {transform_indices = #map1}, {transform_indices = #map}, {transform_indices = #map2}, {transform_indices = #map1}, {transform_indices = #map}]} {
    %mul3A = arith.constant 16 : i32
    %mul3A_0 = arith.muli %arg0, %mul3A : i32
    %add3A = arith.addi %mul3A_0, %arg1 : i32
    %mul3A_1 = arith.constant 632 : i32
    %mul3A_2 = arith.muli %arg1, %mul3A_1 : i32
    %mul3A_3 = arith.constant 64 : i32
    %mul3A_4 = arith.muli %arg0, %mul3A_3 : i32
    "tpu.region"() ({
      %run_scoped3A = tpu.sem_alloc : memref<!tpu.dma_semaphore, #tpu.memory_space<semaphore_mem>>
      %dma_start3A = arith.constant 0 : i32
      %dma_start3A_12 = tpu.memref_slice %arg13[%mul3A_2, %dma_start3A] : memref<10112x64xf32, #tpu.memory_space<vmem_shared>> -> memref<632x64xf32, #tpu.memory_space<vmem_shared>>
      %dma_start3A_13 = tpu.memref_slice %arg2[%mul3A_2, %mul3A_4] : memref<10112x128xf32, #tpu.memory_space<hbm>> -> memref<632x64xf32, #tpu.memory_space<hbm>>
      tpu.enqueue_dma source(%dma_start3A_13 : memref<632x64xf32, #tpu.memory_space<hbm>>) target(%dma_start3A_12 : memref<632x64xf32, #tpu.memory_space<vmem_shared>>) target_semaphore(%run_scoped3A : memref<!tpu.dma_semaphore, #tpu.memory_space<semaphore_mem>>)
      %dma_wait3A = arith.constant 0 : i32
      %dma_wait3A_14 = tpu.memref_slice %arg13[%mul3A_2, %dma_wait3A] : memref<10112x64xf32, #tpu.memory_space<vmem_shared>> -> memref<632x64xf32, #tpu.memory_space<vmem_shared>>
      %dma_wait3A_15 = tpu.memref_slice %arg2[%mul3A_2, %mul3A_4] : memref<10112x128xf32, #tpu.memory_space<hbm>> -> memref<632x64xf32, #tpu.memory_space<hbm>>
      tpu.wait_dma2 semaphore(%run_scoped3A : memref<!tpu.dma_semaphore, #tpu.memory_space<semaphore_mem>>) src(%dma_wait3A_15 : memref<632x64xf32, #tpu.memory_space<hbm>>) dst(%dma_wait3A_14 : memref<632x64xf32, #tpu.memory_space<vmem_shared>>)
      tpu.yield
    }) : () -> ()
    "tpu.region"() ({
      %run_scoped3A = tpu.sem_alloc : memref<!tpu.dma_semaphore, #tpu.memory_space<semaphore_mem>>
      %dma_start3A = arith.constant 0 : i32
      %dma_start3A_12 = tpu.memref_slice %arg14[%mul3A_2, %dma_start3A] : memref<10112x64xf32, #tpu.memory_space<vmem_shared>> -> memref<632x64xf32, #tpu.memory_space<vmem_shared>>
      tpu.enqueue_dma source(%arg5 : memref<632x64xf32, #tpu.memory_space<hbm>>) target(%dma_start3A_12 : memref<632x64xf32, #tpu.memory_space<vmem_shared>>) target_semaphore(%run_scoped3A : memref<!tpu.dma_semaphore, #tpu.memory_space<semaphore_mem>>)
      %dma_wait3A = arith.constant 0 : i32
      %dma_wait3A_13 = tpu.memref_slice %arg14[%mul3A_2, %dma_wait3A] : memref<10112x64xf32, #tpu.memory_space<vmem_shared>> -> memref<632x64xf32, #tpu.memory_space<vmem_shared>>
      tpu.wait_dma2 semaphore(%run_scoped3A : memref<!tpu.dma_semaphore, #tpu.memory_space<semaphore_mem>>) src(%arg5 : memref<632x64xf32, #tpu.memory_space<hbm>>) dst(%dma_wait3A_13 : memref<632x64xf32, #tpu.memory_space<vmem_shared>>)
      tpu.yield
    }) : () -> ()
    "tpu.region"() ({
      %run_scoped3A = tpu.sem_alloc : memref<!tpu.dma_semaphore, #tpu.memory_space<semaphore_mem>>
      tpu.enqueue_dma source(%arg6 : memref<10240xf32, #tpu.memory_space<hbm>>) target(%arg12 : memref<10240xf32, #tpu.memory_space<vmem>>) target_semaphore(%run_scoped3A : memref<!tpu.dma_semaphore, #tpu.memory_space<semaphore_mem>>)
      tpu.wait_dma2 semaphore(%run_scoped3A : memref<!tpu.dma_semaphore, #tpu.memory_space<semaphore_mem>>) src(%arg6 : memref<10240xf32, #tpu.memory_space<hbm>>) dst(%arg12 : memref<10240xf32, #tpu.memory_space<vmem>>)
      tpu.yield
    }) : () -> ()
    %barrier3A = arith.constant 0 : index
    tpu.barrier barrier_id(%barrier3A)
    %broadcast_in_dim3A = arith.constant 1.000000e+00 : f32
    %broadcast_in_dim3A_5 = vector.broadcast %broadcast_in_dim3A : f32 to vector<16xf32>
    %scan3A = arith.constant 0 : i32
    %scan3A_6 = arith.constant 0 : i32
    %scan3A_7 = arith.constant 10 : i32
    %scan3A_8 = arith.addi %scan3A_6, %scan3A_7 : i32
    %scan3A_9 = arith.constant 1 : i32
    scf.for %scan3A_12 = %scan3A_6 to %scan3A_8 step %scan3A_9  : i32 {
      %mul3A_13 = arith.constant 16 : i32
      %mul3A_14 = arith.muli %scan3A_12, %mul3A_13 : i32
      "tpu.region"() ({
        %run_scoped3A = tpu.sem_alloc : memref<!tpu.dma_semaphore, #tpu.memory_space<semaphore_mem>>
        %dma_start3A_46 = arith.constant 0 : i32
        %dma_start3A_47 = tpu.memref_slice %arg3[%arg1, %mul3A_14, %dma_start3A_46] : memref<16x160x128xi32, #tpu.memory_space<hbm>> -> memref<1x16x128xi32, #tpu.memory_space<hbm>>
        %dma_start3A_48 = tpu.memref_squeeze %dma_start3A_47 : memref<1x16x128xi32, #tpu.memory_space<hbm>> -> memref<16x128xi32, #tpu.memory_space<hbm>>
        %dma_start3A_49 = arith.constant 0 : i32
        %dma_start3A_50 = tpu.memref_slice %arg3[%arg1, %mul3A_14, %dma_start3A_49] : memref<16x160x128xi32, #tpu.memory_space<hbm>> -> memref<1x16x128xi32, #tpu.memory_space<hbm>>
        %dma_start3A_51 = tpu.memref_squeeze %dma_start3A_50 : memref<1x16x128xi32, #tpu.memory_space<hbm>> -> memref<16x128xi32, #tpu.memory_space<hbm>>
        tpu.enqueue_dma source(%dma_start3A_51 : memref<16x128xi32, #tpu.memory_space<hbm>>) target(%arg9 : memref<16x128xi32, #tpu.memory_space<vmem>>) target_semaphore(%run_scoped3A : memref<!tpu.dma_semaphore, #tpu.memory_space<semaphore_mem>>)
        %dma_wait3A = arith.constant 0 : i32
        %dma_wait3A_52 = tpu.memref_slice %arg3[%arg1, %mul3A_14, %dma_wait3A] : memref<16x160x128xi32, #tpu.memory_space<hbm>> -> memref<1x16x128xi32, #tpu.memory_space<hbm>>
        %dma_wait3A_53 = tpu.memref_squeeze %dma_wait3A_52 : memref<1x16x128xi32, #tpu.memory_space<hbm>> -> memref<16x128xi32, #tpu.memory_space<hbm>>
        %dma_wait3A_54 = arith.constant 0 : i32
        %dma_wait3A_55 = tpu.memref_slice %arg3[%arg1, %mul3A_14, %dma_wait3A_54] : memref<16x160x128xi32, #tpu.memory_space<hbm>> -> memref<1x16x128xi32, #tpu.memory_space<hbm>>
        %dma_wait3A_56 = tpu.memref_squeeze %dma_wait3A_55 : memref<1x16x128xi32, #tpu.memory_space<hbm>> -> memref<16x128xi32, #tpu.memory_space<hbm>>
        tpu.wait_dma2 semaphore(%run_scoped3A : memref<!tpu.dma_semaphore, #tpu.memory_space<semaphore_mem>>) src(%dma_wait3A_56 : memref<16x128xi32, #tpu.memory_space<hbm>>) dst(%arg9 : memref<16x128xi32, #tpu.memory_space<vmem>>)
        tpu.yield
      }) : () -> ()
      %mul3A_15 = arith.constant 16 : i32
      %mul3A_16 = arith.muli %scan3A_12, %mul3A_15 : i32
      "tpu.region"() ({
        %run_scoped3A = tpu.sem_alloc : memref<!tpu.dma_semaphore, #tpu.memory_space<semaphore_mem>>
        %dma_start3A_46 = arith.constant 0 : i32
        %dma_start3A_47 = tpu.memref_slice %arg4[%arg1, %mul3A_16, %dma_start3A_46] : memref<16x160x128xi32, #tpu.memory_space<hbm>> -> memref<1x16x128xi32, #tpu.memory_space<hbm>>
        %dma_start3A_48 = tpu.memref_squeeze %dma_start3A_47 : memref<1x16x128xi32, #tpu.memory_space<hbm>> -> memref<16x128xi32, #tpu.memory_space<hbm>>
        %dma_start3A_49 = arith.constant 0 : i32
        %dma_start3A_50 = tpu.memref_slice %arg4[%arg1, %mul3A_16, %dma_start3A_49] : memref<16x160x128xi32, #tpu.memory_space<hbm>> -> memref<1x16x128xi32, #tpu.memory_space<hbm>>
        %dma_start3A_51 = tpu.memref_squeeze %dma_start3A_50 : memref<1x16x128xi32, #tpu.memory_space<hbm>> -> memref<16x128xi32, #tpu.memory_space<hbm>>
        tpu.enqueue_dma source(%dma_start3A_51 : memref<16x128xi32, #tpu.memory_space<hbm>>) target(%arg10 : memref<16x128xi32, #tpu.memory_space<vmem>>) target_semaphore(%run_scoped3A : memref<!tpu.dma_semaphore, #tpu.memory_space<semaphore_mem>>)
        %dma_wait3A = arith.constant 0 : i32
        %dma_wait3A_52 = tpu.memref_slice %arg4[%arg1, %mul3A_16, %dma_wait3A] : memref<16x160x128xi32, #tpu.memory_space<hbm>> -> memref<1x16x128xi32, #tpu.memory_space<hbm>>
        %dma_wait3A_53 = tpu.memref_squeeze %dma_wait3A_52 : memref<1x16x128xi32, #tpu.memory_space<hbm>> -> memref<16x128xi32, #tpu.memory_space<hbm>>
        %dma_wait3A_54 = arith.constant 0 : i32
        %dma_wait3A_55 = tpu.memref_slice %arg4[%arg1, %mul3A_16, %dma_wait3A_54] : memref<16x160x128xi32, #tpu.memory_space<hbm>> -> memref<1x16x128xi32, #tpu.memory_space<hbm>>
        %dma_wait3A_56 = tpu.memref_squeeze %dma_wait3A_55 : memref<1x16x128xi32, #tpu.memory_space<hbm>> -> memref<16x128xi32, #tpu.memory_space<hbm>>
        tpu.wait_dma2 semaphore(%run_scoped3A : memref<!tpu.dma_semaphore, #tpu.memory_space<semaphore_mem>>) src(%dma_wait3A_56 : memref<16x128xi32, #tpu.memory_space<hbm>>) dst(%arg10 : memref<16x128xi32, #tpu.memory_space<vmem>>)
        tpu.yield
      }) : () -> ()
      %rem3A = arith.constant 2 : i32
      %rem3A_17 = arith.remsi %scan3A_12, %rem3A : i32
      %eq3A = arith.cmpi eq, %rem3A_17, %arg0 : i32
      %dma_start3A = arith.constant 0 : i32
      %dma_start3A_18 = arith.constant 0 : i32
      %dma_start3A_19 = arith.constant 0 : i32
      %dma_start3A_20 = arith.constant 0 : i32
      %dma_start3A_21 = tpu.memref_slice %arg11[%dma_start3A_18, %dma_start3A_19, %dma_start3A_20] : memref<2x128x64xf32, #tpu.memory_space<vmem>> -> memref<1x128x64xf32, #tpu.memory_space<vmem>>
      %dma_start3A_22 = tpu.memref_squeeze %dma_start3A_21 : memref<1x128x64xf32, #tpu.memory_space<vmem>> -> memref<128x64xf32, #tpu.memory_space<vmem>>
      %dma_start3A_23 = arith.constant 0 : i32
      %dma_start3A_24 = tpu.memref_slice %arg9[%dma_start3A, %dma_start3A_23] : memref<16x128xi32, #tpu.memory_space<vmem>> -> memref<1x128xi32, #tpu.memory_space<vmem>>
      %dma_start3A_25 = tpu.memref_squeeze %dma_start3A_24 : memref<1x128xi32, #tpu.memory_space<vmem>> -> memref<128xi32, #tpu.memory_space<vmem>>
      %dma_start3A_26 = arith.constant 0 : i32
      %dma_start3A_27 = arith.constant 0 : i32
      %dma_start3A_28 = tpu.memref_slice %arg13[%dma_start3A_26, %dma_start3A_27] : memref<10112x64xf32, #tpu.memory_space<vmem_shared>> -> memref<10112x64xf32, #tpu.memory_space<vmem_shared>>
      tpu.enqueue_indirect_dma source(%dma_start3A_28 : memref<10112x64xf32, #tpu.memory_space<vmem_shared>>) target(%dma_start3A_22 : memref<128x64xf32, #tpu.memory_space<vmem>>) offsets(%dma_start3A_25 : memref<128xi32, #tpu.memory_space<vmem>>) semaphore(%arg15 : memref<!tpu.dma_semaphore, #tpu.memory_space<semaphore_mem>>)
      %dma_start3A_29 = arith.constant 1 : i32
      %dma_start3A_30 = arith.constant 1 : i32
      %dma_start3A_31 = arith.constant 0 : i32
      %dma_start3A_32 = arith.constant 0 : i32
      %dma_start3A_33 = tpu.memref_slice %arg11[%dma_start3A_30, %dma_start3A_31, %dma_start3A_32] : memref<2x128x64xf32, #tpu.memory_space<vmem>> -> memref<1x128x64xf32, #tpu.memory_space<vmem>>
      %dma_start3A_34 = tpu.memref_squeeze %dma_start3A_33 : memref<1x128x64xf32, #tpu.memory_space<vmem>> -> memref<128x64xf32, #tpu.memory_space<vmem>>
      %dma_start3A_35 = arith.constant 0 : i32
      %dma_start3A_36 = tpu.memref_slice %arg9[%dma_start3A_29, %dma_start3A_35] : memref<16x128xi32, #tpu.memory_space<vmem>> -> memref<1x128xi32, #tpu.memory_space<vmem>>
      %dma_start3A_37 = tpu.memref_squeeze %dma_start3A_36 : memref<1x128xi32, #tpu.memory_space<vmem>> -> memref<128xi32, #tpu.memory_space<vmem>>
      %dma_start3A_38 = arith.constant 0 : i32
      %dma_start3A_39 = arith.constant 0 : i32
      %dma_start3A_40 = tpu.memref_slice %arg13[%dma_start3A_38, %dma_start3A_39] : memref<10112x64xf32, #tpu.memory_space<vmem_shared>> -> memref<10112x64xf32, #tpu.memory_space<vmem_shared>>
      tpu.enqueue_indirect_dma source(%dma_start3A_40 : memref<10112x64xf32, #tpu.memory_space<vmem_shared>>) target(%dma_start3A_34 : memref<128x64xf32, #tpu.memory_space<vmem>>) offsets(%dma_start3A_37 : memref<128xi32, #tpu.memory_space<vmem>>) semaphore(%arg16 : memref<!tpu.dma_semaphore, #tpu.memory_space<semaphore_mem>>)
      %scan3A_41 = arith.constant 0 : i32
      %scan3A_42 = arith.constant 8 : i32
      %scan3A_43 = arith.addi %scan3A_41, %scan3A_42 : i32
      %scan3A_44 = arith.constant 1 : i32
      scf.for %scan3A_46 = %scan3A_41 to %scan3A_43 step %scan3A_44  : i32 {
        %mul3A_47 = arith.constant 2 : i32
        %mul3A_48 = arith.muli %mul3A_47, %scan3A_46 : i32
        %add3A_49 = arith.constant 0 : i32
        %add3A_50 = arith.addi %mul3A_48, %add3A_49 : i32
        %dma_wait3A = arith.constant 0 : i32
        %dma_wait3A_51 = arith.constant 0 : i32
        %dma_wait3A_52 = arith.constant 0 : i32
        %dma_wait3A_53 = tpu.memref_slice %arg11[%dma_wait3A, %dma_wait3A_51, %dma_wait3A_52] : memref<2x128x64xf32, #tpu.memory_space<vmem>> -> memref<1x128x64xf32, #tpu.memory_space<vmem>>
        %dma_wait3A_54 = tpu.memref_squeeze %dma_wait3A_53 : memref<1x128x64xf32, #tpu.memory_space<vmem>> -> memref<128x64xf32, #tpu.memory_space<vmem>>
        %dma_wait3A_55 = arith.constant 0 : i32
        %dma_wait3A_56 = tpu.memref_slice %arg9[%add3A_50, %dma_wait3A_55] : memref<16x128xi32, #tpu.memory_space<vmem>> -> memref<1x128xi32, #tpu.memory_space<vmem>>
        %dma_wait3A_57 = tpu.memref_squeeze %dma_wait3A_56 : memref<1x128xi32, #tpu.memory_space<vmem>> -> memref<128xi32, #tpu.memory_space<vmem>>
        %dma_wait3A_58 = arith.constant 0 : i32
        %dma_wait3A_59 = arith.constant 0 : i32
        %dma_wait3A_60 = tpu.memref_slice %arg13[%dma_wait3A_58, %dma_wait3A_59] : memref<10112x64xf32, #tpu.memory_space<vmem_shared>> -> memref<10112x64xf32, #tpu.memory_space<vmem_shared>>
        tpu.wait_indirect_dma semaphore(%arg15 : memref<!tpu.dma_semaphore, #tpu.memory_space<semaphore_mem>>) src(%dma_wait3A_60 : memref<10112x64xf32, #tpu.memory_space<vmem_shared>>) dst(%dma_wait3A_54 : memref<128x64xf32, #tpu.memory_space<vmem>>)
        %run_scoped3A = arith.constant 0 : i32
        "tpu.region"() ({
          %run_scoped3A_94 = tpu.sem_alloc : memref<!tpu.dma_semaphore, #tpu.memory_space<semaphore_mem>>
          %dma_start3A_95 = arith.constant 0 : i32
          %dma_start3A_96 = arith.constant 0 : i32
          %dma_start3A_97 = tpu.memref_slice %arg11[%run_scoped3A, %dma_start3A_95, %dma_start3A_96] : memref<2x128x64xf32, #tpu.memory_space<vmem>> -> memref<1x128x64xf32, #tpu.memory_space<vmem>>
          %dma_start3A_98 = tpu.memref_squeeze %dma_start3A_97 : memref<1x128x64xf32, #tpu.memory_space<vmem>> -> memref<128x64xf32, #tpu.memory_space<vmem>>
          %dma_start3A_99 = arith.constant 0 : i32
          %dma_start3A_100 = tpu.memref_slice %arg10[%add3A_50, %dma_start3A_99] : memref<16x128xi32, #tpu.memory_space<vmem>> -> memref<1x128xi32, #tpu.memory_space<vmem>>
          %dma_start3A_101 = tpu.memref_squeeze %dma_start3A_100 : memref<1x128xi32, #tpu.memory_space<vmem>> -> memref<128xi32, #tpu.memory_space<vmem>>
          %dma_start3A_102 = arith.constant 0 : i32
          %dma_start3A_103 = arith.constant 0 : i32
          %dma_start3A_104 = tpu.memref_slice %arg14[%dma_start3A_102, %dma_start3A_103] : memref<10112x64xf32, #tpu.memory_space<vmem_shared>> -> memref<10112x64xf32, #tpu.memory_space<vmem_shared>>
          tpu.enqueue_indirect_dma source(%dma_start3A_98 : memref<128x64xf32, #tpu.memory_space<vmem>>) target(%dma_start3A_104 : memref<10112x64xf32, #tpu.memory_space<vmem_shared>>) offsets(%dma_start3A_101 : memref<128xi32, #tpu.memory_space<vmem>>) semaphore(%run_scoped3A_94 : memref<!tpu.dma_semaphore, #tpu.memory_space<semaphore_mem>>) {add = true}
          %dma_wait3A_105 = arith.constant 0 : i32
          %dma_wait3A_106 = arith.constant 0 : i32
          %dma_wait3A_107 = tpu.memref_slice %arg11[%run_scoped3A, %dma_wait3A_105, %dma_wait3A_106] : memref<2x128x64xf32, #tpu.memory_space<vmem>> -> memref<1x128x64xf32, #tpu.memory_space<vmem>>
          %dma_wait3A_108 = tpu.memref_squeeze %dma_wait3A_107 : memref<1x128x64xf32, #tpu.memory_space<vmem>> -> memref<128x64xf32, #tpu.memory_space<vmem>>
          %dma_wait3A_109 = arith.constant 0 : i32
          %dma_wait3A_110 = tpu.memref_slice %arg10[%add3A_50, %dma_wait3A_109] : memref<16x128xi32, #tpu.memory_space<vmem>> -> memref<1x128xi32, #tpu.memory_space<vmem>>
          %dma_wait3A_111 = tpu.memref_squeeze %dma_wait3A_110 : memref<1x128xi32, #tpu.memory_space<vmem>> -> memref<128xi32, #tpu.memory_space<vmem>>
          %dma_wait3A_112 = arith.constant 0 : i32
          %dma_wait3A_113 = arith.constant 0 : i32
          %dma_wait3A_114 = tpu.memref_slice %arg14[%dma_wait3A_112, %dma_wait3A_113] : memref<10112x64xf32, #tpu.memory_space<vmem_shared>> -> memref<10112x64xf32, #tpu.memory_space<vmem_shared>>
          tpu.wait_indirect_dma semaphore(%run_scoped3A_94 : memref<!tpu.dma_semaphore, #tpu.memory_space<semaphore_mem>>) src(%dma_wait3A_108 : memref<128x64xf32, #tpu.memory_space<vmem>>) dst(%dma_wait3A_114 : memref<10112x64xf32, #tpu.memory_space<vmem_shared>>)
          tpu.yield
        }) : () -> ()
        %convert_element_type3A = arith.extui %eq3A : i1 to i32
        %cond3A = arith.constant 0 : i32
        %cond3A_61 = arith.cmpi ne, %convert_element_type3A, %cond3A : i32
        scf.if %cond3A_61 {
          %get3A = arith.index_cast %add3A_50 : i32 to index
          %get3A_94 = arith.constant 0 : index
          %get3A_95 = tpu.vector_load %arg10[%get3A, %get3A_94] {strides = array<i32>} : memref<16x128xi32, #tpu.memory_space<vmem>>, vector<16xi32>,
          tpu.vector_store_idx %arg12[%get3A_95], %broadcast_in_dim3A_5 {add = true} : memref<10240xf32, #tpu.memory_space<vmem>>[vector<16xi32>], vector<16xf32>,
          %get3A_96 = arith.index_cast %add3A_50 : i32 to index
          %get3A_97 = arith.constant 16 : index
          %get3A_98 = tpu.vector_load %arg10[%get3A_96, %get3A_97] {strides = array<i32>} : memref<16x128xi32, #tpu.memory_space<vmem>>, vector<16xi32>,
          tpu.vector_store_idx %arg12[%get3A_98], %broadcast_in_dim3A_5 {add = true} : memref<10240xf32, #tpu.memory_space<vmem>>[vector<16xi32>], vector<16xf32>,
          %get3A_99 = arith.index_cast %add3A_50 : i32 to index
          %get3A_100 = arith.constant 32 : index
          %get3A_101 = tpu.vector_load %arg10[%get3A_99, %get3A_100] {strides = array<i32>} : memref<16x128xi32, #tpu.memory_space<vmem>>, vector<16xi32>,
          tpu.vector_store_idx %arg12[%get3A_101], %broadcast_in_dim3A_5 {add = true} : memref<10240xf32, #tpu.memory_space<vmem>>[vector<16xi32>], vector<16xf32>,
          %get3A_102 = arith.index_cast %add3A_50 : i32 to index
          %get3A_103 = arith.constant 48 : index
          %get3A_104 = tpu.vector_load %arg10[%get3A_102, %get3A_103] {strides = array<i32>} : memref<16x128xi32, #tpu.memory_space<vmem>>, vector<16xi32>,
          tpu.vector_store_idx %arg12[%get3A_104], %broadcast_in_dim3A_5 {add = true} : memref<10240xf32, #tpu.memory_space<vmem>>[vector<16xi32>], vector<16xf32>,
          %get3A_105 = arith.index_cast %add3A_50 : i32 to index
          %get3A_106 = arith.constant 64 : index
          %get3A_107 = tpu.vector_load %arg10[%get3A_105, %get3A_106] {strides = array<i32>} : memref<16x128xi32, #tpu.memory_space<vmem>>, vector<16xi32>,
          tpu.vector_store_idx %arg12[%get3A_107], %broadcast_in_dim3A_5 {add = true} : memref<10240xf32, #tpu.memory_space<vmem>>[vector<16xi32>], vector<16xf32>,
          %get3A_108 = arith.index_cast %add3A_50 : i32 to index
          %get3A_109 = arith.constant 80 : index
          %get3A_110 = tpu.vector_load %arg10[%get3A_108, %get3A_109] {strides = array<i32>} : memref<16x128xi32, #tpu.memory_space<vmem>>, vector<16xi32>,
          tpu.vector_store_idx %arg12[%get3A_110], %broadcast_in_dim3A_5 {add = true} : memref<10240xf32, #tpu.memory_space<vmem>>[vector<16xi32>], vector<16xf32>,
          %get3A_111 = arith.index_cast %add3A_50 : i32 to index
          %get3A_112 = arith.constant 96 : index
          %get3A_113 = tpu.vector_load %arg10[%get3A_111, %get3A_112] {strides = array<i32>} : memref<16x128xi32, #tpu.memory_space<vmem>>, vector<16xi32>,
          tpu.vector_store_idx %arg12[%get3A_113], %broadcast_in_dim3A_5 {add = true} : memref<10240xf32, #tpu.memory_space<vmem>>[vector<16xi32>], vector<16xf32>,
          %get3A_114 = arith.index_cast %add3A_50 : i32 to index
          %get3A_115 = arith.constant 112 : index
          %get3A_116 = tpu.vector_load %arg10[%get3A_114, %get3A_115] {strides = array<i32>} : memref<16x128xi32, #tpu.memory_space<vmem>>, vector<16xi32>,
          tpu.vector_store_idx %arg12[%get3A_116], %broadcast_in_dim3A_5 {add = true} : memref<10240xf32, #tpu.memory_space<vmem>>[vector<16xi32>], vector<16xf32>,
        } else {
        }
        %add3A_62 = arith.constant 2 : i32
        %add3A_63 = arith.addi %add3A_50, %add3A_62 : i32
        %lt3A = arith.constant 16 : i32
        %lt3A_64 = arith.cmpi slt, %add3A_63, %lt3A : i32
        %convert_element_type3A_65 = arith.extui %lt3A_64 : i1 to i32
        %cond3A_66 = arith.constant 0 : i32
        %cond3A_67 = arith.cmpi ne, %convert_element_type3A_65, %cond3A_66 : i32
        scf.if %cond3A_67 {
          %add3A_94 = arith.constant 2 : i32
          %add3A_95 = arith.addi %add3A_50, %add3A_94 : i32
          %dma_start3A_96 = arith.constant 0 : i32
          %dma_start3A_97 = arith.constant 0 : i32
          %dma_start3A_98 = arith.constant 0 : i32
          %dma_start3A_99 = tpu.memref_slice %arg11[%dma_start3A_96, %dma_start3A_97, %dma_start3A_98] : memref<2x128x64xf32, #tpu.memory_space<vmem>> -> memref<1x128x64xf32, #tpu.memory_space<vmem>>
          %dma_start3A_100 = tpu.memref_squeeze %dma_start3A_99 : memref<1x128x64xf32, #tpu.memory_space<vmem>> -> memref<128x64xf32, #tpu.memory_space<vmem>>
          %dma_start3A_101 = arith.constant 0 : i32
          %dma_start3A_102 = tpu.memref_slice %arg9[%add3A_95, %dma_start3A_101] : memref<16x128xi32, #tpu.memory_space<vmem>> -> memref<1x128xi32, #tpu.memory_space<vmem>>
          %dma_start3A_103 = tpu.memref_squeeze %dma_start3A_102 : memref<1x128xi32, #tpu.memory_space<vmem>> -> memref<128xi32, #tpu.memory_space<vmem>>
          %dma_start3A_104 = arith.constant 0 : i32
          %dma_start3A_105 = arith.constant 0 : i32
          %dma_start3A_106 = tpu.memref_slice %arg13[%dma_start3A_104, %dma_start3A_105] : memref<10112x64xf32, #tpu.memory_space<vmem_shared>> -> memref<10112x64xf32, #tpu.memory_space<vmem_shared>>
          tpu.enqueue_indirect_dma source(%dma_start3A_106 : memref<10112x64xf32, #tpu.memory_space<vmem_shared>>) target(%dma_start3A_100 : memref<128x64xf32, #tpu.memory_space<vmem>>) offsets(%dma_start3A_103 : memref<128xi32, #tpu.memory_space<vmem>>) semaphore(%arg15 : memref<!tpu.dma_semaphore, #tpu.memory_space<semaphore_mem>>)
        } else {
        }
        %mul3A_68 = arith.constant 2 : i32
        %mul3A_69 = arith.muli %mul3A_68, %scan3A_46 : i32
        %add3A_70 = arith.constant 1 : i32
        %add3A_71 = arith.addi %mul3A_69, %add3A_70 : i32
        %dma_wait3A_72 = arith.constant 1 : i32
        %dma_wait3A_73 = arith.constant 0 : i32
        %dma_wait3A_74 = arith.constant 0 : i32
        %dma_wait3A_75 = tpu.memref_slice %arg11[%dma_wait3A_72, %dma_wait3A_73, %dma_wait3A_74] : memref<2x128x64xf32, #tpu.memory_space<vmem>> -> memref<1x128x64xf32, #tpu.memory_space<vmem>>
        %dma_wait3A_76 = tpu.memref_squeeze %dma_wait3A_75 : memref<1x128x64xf32, #tpu.memory_space<vmem>> -> memref<128x64xf32, #tpu.memory_space<vmem>>
        %dma_wait3A_77 = arith.constant 0 : i32
        %dma_wait3A_78 = tpu.memref_slice %arg9[%add3A_71, %dma_wait3A_77] : memref<16x128xi32, #tpu.memory_space<vmem>> -> memref<1x128xi32, #tpu.memory_space<vmem>>
        %dma_wait3A_79 = tpu.memref_squeeze %dma_wait3A_78 : memref<1x128xi32, #tpu.memory_space<vmem>> -> memref<128xi32, #tpu.memory_space<vmem>>
        %dma_wait3A_80 = arith.constant 0 : i32
        %dma_wait3A_81 = arith.constant 0 : i32
        %dma_wait3A_82 = tpu.memref_slice %arg13[%dma_wait3A_80, %dma_wait3A_81] : memref<10112x64xf32, #tpu.memory_space<vmem_shared>> -> memref<10112x64xf32, #tpu.memory_space<vmem_shared>>
        tpu.wait_indirect_dma semaphore(%arg16 : memref<!tpu.dma_semaphore, #tpu.memory_space<semaphore_mem>>) src(%dma_wait3A_82 : memref<10112x64xf32, #tpu.memory_space<vmem_shared>>) dst(%dma_wait3A_76 : memref<128x64xf32, #tpu.memory_space<vmem>>)
        %run_scoped3A_83 = arith.constant 1 : i32
        "tpu.region"() ({
          %run_scoped3A_94 = tpu.sem_alloc : memref<!tpu.dma_semaphore, #tpu.memory_space<semaphore_mem>>
          %dma_start3A_95 = arith.constant 0 : i32
          %dma_start3A_96 = arith.constant 0 : i32
          %dma_start3A_97 = tpu.memref_slice %arg11[%run_scoped3A_83, %dma_start3A_95, %dma_start3A_96] : memref<2x128x64xf32, #tpu.memory_space<vmem>> -> memref<1x128x64xf32, #tpu.memory_space<vmem>>
          %dma_start3A_98 = tpu.memref_squeeze %dma_start3A_97 : memref<1x128x64xf32, #tpu.memory_space<vmem>> -> memref<128x64xf32, #tpu.memory_space<vmem>>
          %dma_start3A_99 = arith.constant 0 : i32
          %dma_start3A_100 = tpu.memref_slice %arg10[%add3A_71, %dma_start3A_99] : memref<16x128xi32, #tpu.memory_space<vmem>> -> memref<1x128xi32, #tpu.memory_space<vmem>>
          %dma_start3A_101 = tpu.memref_squeeze %dma_start3A_100 : memref<1x128xi32, #tpu.memory_space<vmem>> -> memref<128xi32, #tpu.memory_space<vmem>>
          %dma_start3A_102 = arith.constant 0 : i32
          %dma_start3A_103 = arith.constant 0 : i32
          %dma_start3A_104 = tpu.memref_slice %arg14[%dma_start3A_102, %dma_start3A_103] : memref<10112x64xf32, #tpu.memory_space<vmem_shared>> -> memref<10112x64xf32, #tpu.memory_space<vmem_shared>>
          tpu.enqueue_indirect_dma source(%dma_start3A_98 : memref<128x64xf32, #tpu.memory_space<vmem>>) target(%dma_start3A_104 : memref<10112x64xf32, #tpu.memory_space<vmem_shared>>) offsets(%dma_start3A_101 : memref<128xi32, #tpu.memory_space<vmem>>) semaphore(%run_scoped3A_94 : memref<!tpu.dma_semaphore, #tpu.memory_space<semaphore_mem>>) {add = true}
          %dma_wait3A_105 = arith.constant 0 : i32
          %dma_wait3A_106 = arith.constant 0 : i32
          %dma_wait3A_107 = tpu.memref_slice %arg11[%run_scoped3A_83, %dma_wait3A_105, %dma_wait3A_106] : memref<2x128x64xf32, #tpu.memory_space<vmem>> -> memref<1x128x64xf32, #tpu.memory_space<vmem>>
          %dma_wait3A_108 = tpu.memref_squeeze %dma_wait3A_107 : memref<1x128x64xf32, #tpu.memory_space<vmem>> -> memref<128x64xf32, #tpu.memory_space<vmem>>
          %dma_wait3A_109 = arith.constant 0 : i32
          %dma_wait3A_110 = tpu.memref_slice %arg10[%add3A_71, %dma_wait3A_109] : memref<16x128xi32, #tpu.memory_space<vmem>> -> memref<1x128xi32, #tpu.memory_space<vmem>>
          %dma_wait3A_111 = tpu.memref_squeeze %dma_wait3A_110 : memref<1x128xi32, #tpu.memory_space<vmem>> -> memref<128xi32, #tpu.memory_space<vmem>>
          %dma_wait3A_112 = arith.constant 0 : i32
          %dma_wait3A_113 = arith.constant 0 : i32
          %dma_wait3A_114 = tpu.memref_slice %arg14[%dma_wait3A_112, %dma_wait3A_113] : memref<10112x64xf32, #tpu.memory_space<vmem_shared>> -> memref<10112x64xf32, #tpu.memory_space<vmem_shared>>
          tpu.wait_indirect_dma semaphore(%run_scoped3A_94 : memref<!tpu.dma_semaphore, #tpu.memory_space<semaphore_mem>>) src(%dma_wait3A_108 : memref<128x64xf32, #tpu.memory_space<vmem>>) dst(%dma_wait3A_114 : memref<10112x64xf32, #tpu.memory_space<vmem_shared>>)
          tpu.yield
        }) : () -> ()
        %convert_element_type3A_84 = arith.extui %eq3A : i1 to i32
        %cond3A_85 = arith.constant 0 : i32
        %cond3A_86 = arith.cmpi ne, %convert_element_type3A_84, %cond3A_85 : i32
        scf.if %cond3A_86 {
          %get3A = arith.index_cast %add3A_71 : i32 to index
          %get3A_94 = arith.constant 0 : index
          %get3A_95 = tpu.vector_load %arg10[%get3A, %get3A_94] {strides = array<i32>} : memref<16x128xi32, #tpu.memory_space<vmem>>, vector<16xi32>,
          tpu.vector_store_idx %arg12[%get3A_95], %broadcast_in_dim3A_5 {add = true} : memref<10240xf32, #tpu.memory_space<vmem>>[vector<16xi32>], vector<16xf32>,
          %get3A_96 = arith.index_cast %add3A_71 : i32 to index
          %get3A_97 = arith.constant 16 : index
          %get3A_98 = tpu.vector_load %arg10[%get3A_96, %get3A_97] {strides = array<i32>} : memref<16x128xi32, #tpu.memory_space<vmem>>, vector<16xi32>,
          tpu.vector_store_idx %arg12[%get3A_98], %broadcast_in_dim3A_5 {add = true} : memref<10240xf32, #tpu.memory_space<vmem>>[vector<16xi32>], vector<16xf32>,
          %get3A_99 = arith.index_cast %add3A_71 : i32 to index
          %get3A_100 = arith.constant 32 : index
          %get3A_101 = tpu.vector_load %arg10[%get3A_99, %get3A_100] {strides = array<i32>} : memref<16x128xi32, #tpu.memory_space<vmem>>, vector<16xi32>,
          tpu.vector_store_idx %arg12[%get3A_101], %broadcast_in_dim3A_5 {add = true} : memref<10240xf32, #tpu.memory_space<vmem>>[vector<16xi32>], vector<16xf32>,
          %get3A_102 = arith.index_cast %add3A_71 : i32 to index
          %get3A_103 = arith.constant 48 : index
          %get3A_104 = tpu.vector_load %arg10[%get3A_102, %get3A_103] {strides = array<i32>} : memref<16x128xi32, #tpu.memory_space<vmem>>, vector<16xi32>,
          tpu.vector_store_idx %arg12[%get3A_104], %broadcast_in_dim3A_5 {add = true} : memref<10240xf32, #tpu.memory_space<vmem>>[vector<16xi32>], vector<16xf32>,
          %get3A_105 = arith.index_cast %add3A_71 : i32 to index
          %get3A_106 = arith.constant 64 : index
          %get3A_107 = tpu.vector_load %arg10[%get3A_105, %get3A_106] {strides = array<i32>} : memref<16x128xi32, #tpu.memory_space<vmem>>, vector<16xi32>,
          tpu.vector_store_idx %arg12[%get3A_107], %broadcast_in_dim3A_5 {add = true} : memref<10240xf32, #tpu.memory_space<vmem>>[vector<16xi32>], vector<16xf32>,
          %get3A_108 = arith.index_cast %add3A_71 : i32 to index
          %get3A_109 = arith.constant 80 : index
          %get3A_110 = tpu.vector_load %arg10[%get3A_108, %get3A_109] {strides = array<i32>} : memref<16x128xi32, #tpu.memory_space<vmem>>, vector<16xi32>,
          tpu.vector_store_idx %arg12[%get3A_110], %broadcast_in_dim3A_5 {add = true} : memref<10240xf32, #tpu.memory_space<vmem>>[vector<16xi32>], vector<16xf32>,
          %get3A_111 = arith.index_cast %add3A_71 : i32 to index
          %get3A_112 = arith.constant 96 : index
          %get3A_113 = tpu.vector_load %arg10[%get3A_111, %get3A_112] {strides = array<i32>} : memref<16x128xi32, #tpu.memory_space<vmem>>, vector<16xi32>,
          tpu.vector_store_idx %arg12[%get3A_113], %broadcast_in_dim3A_5 {add = true} : memref<10240xf32, #tpu.memory_space<vmem>>[vector<16xi32>], vector<16xf32>,
          %get3A_114 = arith.index_cast %add3A_71 : i32 to index
          %get3A_115 = arith.constant 112 : index
          %get3A_116 = tpu.vector_load %arg10[%get3A_114, %get3A_115] {strides = array<i32>} : memref<16x128xi32, #tpu.memory_space<vmem>>, vector<16xi32>,
          tpu.vector_store_idx %arg12[%get3A_116], %broadcast_in_dim3A_5 {add = true} : memref<10240xf32, #tpu.memory_space<vmem>>[vector<16xi32>], vector<16xf32>,
        } else {
        }
        %add3A_87 = arith.constant 2 : i32
        %add3A_88 = arith.addi %add3A_71, %add3A_87 : i32
        %lt3A_89 = arith.constant 16 : i32
        %lt3A_90 = arith.cmpi slt, %add3A_88, %lt3A_89 : i32
        %convert_element_type3A_91 = arith.extui %lt3A_90 : i1 to i32
        %cond3A_92 = arith.constant 0 : i32
        %cond3A_93 = arith.cmpi ne, %convert_element_type3A_91, %cond3A_92 : i32
        scf.if %cond3A_93 {
          %add3A_94 = arith.constant 2 : i32
          %add3A_95 = arith.addi %add3A_71, %add3A_94 : i32
          %dma_start3A_96 = arith.constant 1 : i32
          %dma_start3A_97 = arith.constant 0 : i32
          %dma_start3A_98 = arith.constant 0 : i32
          %dma_start3A_99 = tpu.memref_slice %arg11[%dma_start3A_96, %dma_start3A_97, %dma_start3A_98] : memref<2x128x64xf32, #tpu.memory_space<vmem>> -> memref<1x128x64xf32, #tpu.memory_space<vmem>>
          %dma_start3A_100 = tpu.memref_squeeze %dma_start3A_99 : memref<1x128x64xf32, #tpu.memory_space<vmem>> -> memref<128x64xf32, #tpu.memory_space<vmem>>
          %dma_start3A_101 = arith.constant 0 : i32
          %dma_start3A_102 = tpu.memref_slice %arg9[%add3A_95, %dma_start3A_101] : memref<16x128xi32, #tpu.memory_space<vmem>> -> memref<1x128xi32, #tpu.memory_space<vmem>>
          %dma_start3A_103 = tpu.memref_squeeze %dma_start3A_102 : memref<1x128xi32, #tpu.memory_space<vmem>> -> memref<128xi32, #tpu.memory_space<vmem>>
          %dma_start3A_104 = arith.constant 0 : i32
          %dma_start3A_105 = arith.constant 0 : i32
          %dma_start3A_106 = tpu.memref_slice %arg13[%dma_start3A_104, %dma_start3A_105] : memref<10112x64xf32, #tpu.memory_space<vmem_shared>> -> memref<10112x64xf32, #tpu.memory_space<vmem_shared>>
          tpu.enqueue_indirect_dma source(%dma_start3A_106 : memref<10112x64xf32, #tpu.memory_space<vmem_shared>>) target(%dma_start3A_100 : memref<128x64xf32, #tpu.memory_space<vmem>>) offsets(%dma_start3A_103 : memref<128xi32, #tpu.memory_space<vmem>>) semaphore(%arg16 : memref<!tpu.dma_semaphore, #tpu.memory_space<semaphore_mem>>)
        } else {
        }
      }
      %scan3A_45 = arith.constant 8 : i32
    }
    %scan3A_10 = arith.constant 10 : i32
    %barrier3A_11 = arith.constant 0 : index
    tpu.barrier barrier_id(%barrier3A_11)
    "tpu.region"() ({
      %run_scoped3A = tpu.sem_alloc : memref<!tpu.dma_semaphore, #tpu.memory_space<semaphore_mem>>
      %dma_start3A = arith.constant 0 : i32
      %dma_start3A_12 = tpu.memref_slice %arg7[%arg0, %mul3A_2, %dma_start3A] : memref<2x10112x64xf32, #tpu.memory_space<hbm>> -> memref<1x632x64xf32, #tpu.memory_space<hbm>>
      %dma_start3A_13 = tpu.memref_squeeze %dma_start3A_12 : memref<1x632x64xf32, #tpu.memory_space<hbm>> -> memref<632x64xf32, #tpu.memory_space<hbm>>
      %dma_start3A_14 = arith.constant 0 : i32
      %dma_start3A_15 = tpu.memref_slice %arg14[%mul3A_2, %dma_start3A_14] : memref<10112x64xf32, #tpu.memory_space<vmem_shared>> -> memref<632x64xf32, #tpu.memory_space<vmem_shared>>
      tpu.enqueue_dma source(%dma_start3A_15 : memref<632x64xf32, #tpu.memory_space<vmem_shared>>) target(%dma_start3A_13 : memref<632x64xf32, #tpu.memory_space<hbm>>) target_semaphore(%run_scoped3A : memref<!tpu.dma_semaphore, #tpu.memory_space<semaphore_mem>>)
      %dma_wait3A = arith.constant 0 : i32
      %dma_wait3A_16 = tpu.memref_slice %arg7[%arg0, %mul3A_2, %dma_wait3A] : memref<2x10112x64xf32, #tpu.memory_space<hbm>> -> memref<1x632x64xf32, #tpu.memory_space<hbm>>
      %dma_wait3A_17 = tpu.memref_squeeze %dma_wait3A_16 : memref<1x632x64xf32, #tpu.memory_space<hbm>> -> memref<632x64xf32, #tpu.memory_space<hbm>>
      %dma_wait3A_18 = arith.constant 0 : i32
      %dma_wait3A_19 = tpu.memref_slice %arg14[%mul3A_2, %dma_wait3A_18] : memref<10112x64xf32, #tpu.memory_space<vmem_shared>> -> memref<632x64xf32, #tpu.memory_space<vmem_shared>>
      tpu.wait_dma2 semaphore(%run_scoped3A : memref<!tpu.dma_semaphore, #tpu.memory_space<semaphore_mem>>) src(%dma_wait3A_19 : memref<632x64xf32, #tpu.memory_space<vmem_shared>>) dst(%dma_wait3A_17 : memref<632x64xf32, #tpu.memory_space<hbm>>)
      tpu.yield
    }) : () -> ()
    "tpu.region"() ({
      %run_scoped3A = tpu.sem_alloc : memref<!tpu.dma_semaphore, #tpu.memory_space<semaphore_mem>>
      %dma_start3A = arith.constant 0 : i32
      %dma_start3A_12 = tpu.memref_slice %arg8[%add3A, %dma_start3A] : memref<32x10240xf32, #tpu.memory_space<hbm>> -> memref<1x10240xf32, #tpu.memory_space<hbm>>
      %dma_start3A_13 = tpu.memref_squeeze %dma_start3A_12 : memref<1x10240xf32, #tpu.memory_space<hbm>> -> memref<10240xf32, #tpu.memory_space<hbm>>
      %dma_start3A_14 = arith.constant 0 : i32
      %dma_start3A_15 = tpu.memref_slice %arg8[%add3A, %dma_start3A_14] : memref<32x10240xf32, #tpu.memory_space<hbm>> -> memref<1x10240xf32, #tpu.memory_space<hbm>>
      %dma_start3A_16 = tpu.memref_squeeze %dma_start3A_15 : memref<1x10240xf32, #tpu.memory_space<hbm>> -> memref<10240xf32, #tpu.memory_space<hbm>>
      tpu.enqueue_dma source(%arg12 : memref<10240xf32, #tpu.memory_space<vmem>>) target(%dma_start3A_16 : memref<10240xf32, #tpu.memory_space<hbm>>) target_semaphore(%run_scoped3A : memref<!tpu.dma_semaphore, #tpu.memory_space<semaphore_mem>>)
      %dma_wait3A = arith.constant 0 : i32
      %dma_wait3A_17 = tpu.memref_slice %arg8[%add3A, %dma_wait3A] : memref<32x10240xf32, #tpu.memory_space<hbm>> -> memref<1x10240xf32, #tpu.memory_space<hbm>>
      %dma_wait3A_18 = tpu.memref_squeeze %dma_wait3A_17 : memref<1x10240xf32, #tpu.memory_space<hbm>> -> memref<10240xf32, #tpu.memory_space<hbm>>
      %dma_wait3A_19 = arith.constant 0 : i32
      %dma_wait3A_20 = tpu.memref_slice %arg8[%add3A, %dma_wait3A_19] : memref<32x10240xf32, #tpu.memory_space<hbm>> -> memref<1x10240xf32, #tpu.memory_space<hbm>>
      %dma_wait3A_21 = tpu.memref_squeeze %dma_wait3A_20 : memref<1x10240xf32, #tpu.memory_space<hbm>> -> memref<10240xf32, #tpu.memory_space<hbm>>
      tpu.wait_dma2 semaphore(%run_scoped3A : memref<!tpu.dma_semaphore, #tpu.memory_space<semaphore_mem>>) src(%arg12 : memref<10240xf32, #tpu.memory_space<vmem>>) dst(%dma_wait3A_21 : memref<10240xf32, #tpu.memory_space<hbm>>)
      tpu.yield
    }) : () -> ()
    return
  }
}

module attributes {stable_mosaic.version = 14 : i64} {
  func.func @_dense_body(%arg0: i32, %arg1: memref<400x128xf32, #tpu.memory_space<vmem>>, %arg2: memref<128x128xf32, #tpu.memory_space<vmem>>, %arg3: memref<1x128xf32, #tpu.memory_space<vmem>>, %arg4: memref<128x128xf32, #tpu.memory_space<vmem>>, %arg5: memref<1x128xf32, #tpu.memory_space<vmem>>, %arg6: memref<128x128xf32, #tpu.memory_space<vmem>>, %arg7: memref<400x128xf32, #tpu.memory_space<vmem>>, %arg8: memref<400x128xf32, #tpu.memory_space<vmem>>) attributes {dimension_semantics = [#tpu.dimension_semantics<arbitrary>], iteration_bounds = array<i64: 25>, scalar_prefetch = 0 : i64, scratch_operands = 0 : i64, tpu.core_type = #tpu.core_type<tc>, window_params = [{transform_indices = @transform_0, window_bounds = array<i64: 400, 128>}, {pipeline_mode = #tpu.pipeline_mode<synchronous>, transform_indices = @transform_1, window_bounds = array<i64: 128, 128>}, {pipeline_mode = #tpu.pipeline_mode<synchronous>, transform_indices = @transform_2, window_bounds = array<i64: 1, 128>}, {pipeline_mode = #tpu.pipeline_mode<synchronous>, transform_indices = @transform_3, window_bounds = array<i64: 128, 128>}, {pipeline_mode = #tpu.pipeline_mode<synchronous>, transform_indices = @transform_4, window_bounds = array<i64: 1, 128>}, {pipeline_mode = #tpu.pipeline_mode<synchronous>, transform_indices = @transform_5, window_bounds = array<i64: 128, 128>}, {transform_indices = @transform_6, window_bounds = array<i64: 400, 128>}, {transform_indices = @transform_7, window_bounds = array<i64: 400, 128>}]} {
    %get3A = arith.constant 0 : index
    %get3A_0 = arith.constant 0 : index
    %get3A_1 = vector.load %arg1[%get3A, %get3A_0] : memref<400x128xf32, #tpu.memory_space<vmem>>, vector<400x128xf32>
    %get3A_2 = arith.constant 0 : index
    %get3A_3 = arith.constant 0 : index
    %get3A_4 = vector.load %arg2[%get3A_2, %get3A_3] : memref<128x128xf32, #tpu.memory_space<vmem>>, vector<128x128xf32>
    %dot_general3A = arith.constant dense<0.000000e+00> : vector<400x128xf32>
    %dot_general3A_5 = tpu.matmul %get3A_1, %get3A_4, %dot_general3A {dimension_numbers = #tpu.dot_dimension_numbers<[1], [1], [0], [0], [0, 0, 1, 0], [], []>, transpose_lhs_hint = false} : vector<400x128xf32>, vector<128x128xf32>, vector<400x128xf32> -> vector<400x128xf32>
    %get3A_6 = arith.constant 0 : index
    %get3A_7 = arith.constant 0 : index
    %get3A_8 = vector.load %arg3[%get3A_6, %get3A_7] : memref<1x128xf32, #tpu.memory_space<vmem>>, vector<1x128xf32>
    %add3A = vector.broadcast %get3A_8 : vector<1x128xf32> to vector<400x128xf32>
    %add3A_9 = arith.addf %dot_general3A_5, %add3A : vector<400x128xf32>
    %max3A = arith.constant 0.000000e+00 : f32
    %max3A_10 = vector.broadcast %max3A : f32 to vector<400x128xf32>
    %max3A_11 = arith.maximumf %add3A_9, %max3A_10 : vector<400x128xf32>
    %get3A_12 = arith.constant 0 : index
    %get3A_13 = arith.constant 0 : index
    %get3A_14 = vector.load %arg4[%get3A_12, %get3A_13] : memref<128x128xf32, #tpu.memory_space<vmem>>, vector<128x128xf32>
    %dot_general3A_15 = arith.constant dense<0.000000e+00> : vector<400x128xf32>
    %dot_general3A_16 = tpu.matmul %max3A_11, %get3A_14, %dot_general3A_15 {dimension_numbers = #tpu.dot_dimension_numbers<[1], [1], [0], [0], [0, 0, 1, 0], [], []>, transpose_lhs_hint = false} : vector<400x128xf32>, vector<128x128xf32>, vector<400x128xf32> -> vector<400x128xf32>
    %swap3A = arith.constant 0 : index
    %swap3A_17 = arith.constant 0 : index
    %swap3A_18 = vector.load %arg7[%swap3A, %swap3A_17] : memref<400x128xf32, #tpu.memory_space<vmem>>, vector<400x128xf32>
    tpu.vector_store %arg7[%swap3A, %swap3A_17], %dot_general3A_16 {strides = array<i32>} : memref<400x128xf32, #tpu.memory_space<vmem>>, vector<400x128xf32>,
    %get3A_19 = arith.constant 0 : index
    %get3A_20 = arith.constant 0 : index
    %get3A_21 = vector.load %arg6[%get3A_19, %get3A_20] : memref<128x128xf32, #tpu.memory_space<vmem>>, vector<128x128xf32>
    %dot_general3A_22 = arith.constant dense<0.000000e+00> : vector<400x128xf32>
    %dot_general3A_23 = tpu.matmul %max3A_11, %get3A_21, %dot_general3A_22 {dimension_numbers = #tpu.dot_dimension_numbers<[1], [1], [0], [0], [0, 0, 1, 0], [], []>, transpose_lhs_hint = false} : vector<400x128xf32>, vector<128x128xf32>, vector<400x128xf32> -> vector<400x128xf32>
    %get3A_24 = arith.constant 0 : index
    %get3A_25 = arith.constant 0 : index
    %get3A_26 = vector.load %arg5[%get3A_24, %get3A_25] : memref<1x128xf32, #tpu.memory_space<vmem>>, vector<1x128xf32>
    %add3A_27 = vector.broadcast %get3A_26 : vector<1x128xf32> to vector<400x128xf32>
    %add3A_28 = arith.addf %dot_general3A_23, %add3A_27 : vector<400x128xf32>
    %swap3A_29 = arith.constant 0 : index
    %swap3A_30 = arith.constant 0 : index
    %swap3A_31 = vector.load %arg8[%swap3A_29, %swap3A_30] : memref<400x128xf32, #tpu.memory_space<vmem>>, vector<400x128xf32>
    tpu.vector_store %arg8[%swap3A_29, %swap3A_30], %add3A_28 {strides = array<i32>} : memref<400x128xf32, #tpu.memory_space<vmem>>, vector<400x128xf32>,
    return
  }
  func.func @transform_0(%arg0: i32) -> (i32, i32) {
    %c0_i32 = arith.constant 0 : i32
    %c0_i32_0 = arith.constant 0 : i32
    return %arg0, %c0_i32 : i32, i32
  }
  func.func @transform_1(%arg0: i32) -> (i32, i32) {
    %c0_i32 = arith.constant 0 : i32
    %c0_i32_0 = arith.constant 0 : i32
    %c0_i32_1 = arith.constant 0 : i32
    return %c0_i32, %c0_i32_0 : i32, i32
  }
  func.func @transform_2(%arg0: i32) -> (i32, i32) {
    %c0_i32 = arith.constant 0 : i32
    %c0_i32_0 = arith.constant 0 : i32
    %c0_i32_1 = arith.constant 0 : i32
    return %c0_i32, %c0_i32_0 : i32, i32
  }
  func.func @transform_3(%arg0: i32) -> (i32, i32) {
    %c0_i32 = arith.constant 0 : i32
    %c0_i32_0 = arith.constant 0 : i32
    %c0_i32_1 = arith.constant 0 : i32
    return %c0_i32, %c0_i32_0 : i32, i32
  }
  func.func @transform_4(%arg0: i32) -> (i32, i32) {
    %c0_i32 = arith.constant 0 : i32
    %c0_i32_0 = arith.constant 0 : i32
    %c0_i32_1 = arith.constant 0 : i32
    return %c0_i32, %c0_i32_0 : i32, i32
  }
  func.func @transform_5(%arg0: i32) -> (i32, i32) {
    %c0_i32 = arith.constant 0 : i32
    %c0_i32_0 = arith.constant 0 : i32
    %c0_i32_1 = arith.constant 0 : i32
    return %c0_i32, %c0_i32_0 : i32, i32
  }
  func.func @transform_6(%arg0: i32) -> (i32, i32) {
    %c0_i32 = arith.constant 0 : i32
    %c0_i32_0 = arith.constant 0 : i32
    return %arg0, %c0_i32 : i32, i32
  }
  func.func @transform_7(%arg0: i32) -> (i32, i32) {
    %c0_i32 = arith.constant 0 : i32
    %c0_i32_0 = arith.constant 0 : i32
    return %arg0, %c0_i32 : i32, i32
  }
}

module attributes {stable_mosaic.version = 14 : i64} {
  func.func @_combine_body(%arg0: i32, %arg1: memref<2x512x64xf32, #tpu.memory_space<vmem>>, %arg2: memref<32x10240xf32, #tpu.memory_space<vmem>>, %arg3: memref<512x128xf32, #tpu.memory_space<vmem>>, %arg4: memref<512x128xf32, #tpu.memory_space<vmem>>) attributes {dimension_semantics = [#tpu.dimension_semantics<arbitrary>], iteration_bounds = array<i64: 20>, scalar_prefetch = 0 : i64, scratch_operands = 0 : i64, tpu.core_type = #tpu.core_type<tc>, window_params = [{transform_indices = @transform_0, window_bounds = array<i64: 2, 512, 64>}, {pipeline_mode = #tpu.pipeline_mode<synchronous>, transform_indices = @transform_1, window_bounds = array<i64: 32, 10240>}, {transform_indices = @transform_2, window_bounds = array<i64: 512, 128>}, {transform_indices = @transform_3, window_bounds = array<i64: 512, 128>}]} {
    %get3A = arith.constant 0 : index
    %get3A_0 = arith.constant 0 : index
    %get3A_1 = arith.constant 0 : index
    %get3A_2 = vector.load %arg1[%get3A, %get3A_0, %get3A_1] : memref<2x512x64xf32, #tpu.memory_space<vmem>>, vector<1x512x64xf32>
    %get3A_3 = vector.shape_cast %get3A_2 : vector<1x512x64xf32> to vector<512x64xf32>
    %get3A_4 = arith.constant 1 : index
    %get3A_5 = arith.constant 0 : index
    %get3A_6 = arith.constant 0 : index
    %get3A_7 = vector.load %arg1[%get3A_4, %get3A_5, %get3A_6] : memref<2x512x64xf32, #tpu.memory_space<vmem>>, vector<1x512x64xf32>
    %get3A_8 = vector.shape_cast %get3A_7 : vector<1x512x64xf32> to vector<512x64xf32>
    %concatenate3A = tpu.concatenate %get3A_3, %get3A_8 in 1 : vector<512x64xf32>, vector<512x64xf32> -> vector<512x128xf32>
    %mul3A = arith.constant 512 : i32
    %mul3A_9 = arith.muli %arg0, %mul3A : i32
    %get3A_10 = arith.constant 0 : index
    %get3A_11 = arith.index_cast %mul3A_9 : i32 to index
    %get3A_12 = vector.load %arg2[%get3A_10, %get3A_11] : memref<32x10240xf32, #tpu.memory_space<vmem>>, vector<32x512xf32>
    %reduce_sum3A = arith.constant dense<0.000000e+00> : vector<512xf32>
    %reduce_sum3A_13 = vector.multi_reduction <add>, %get3A_12, %reduce_sum3A [0] : vector<32x512xf32> to vector<512xf32>
    %reshape3A = vector.shape_cast %reduce_sum3A_13 : vector<512xf32> to vector<512x1xf32>
    %jit3A = arith.constant 1.000000e+00 : f32
    %max3A = vector.broadcast %jit3A : f32 to vector<512x1xf32>
    %max3A_14 = arith.maximumf %max3A, %reshape3A : vector<512x1xf32>
    %div3A = vector.broadcast %max3A_14 : vector<512x1xf32> to vector<512x128xf32>
    %div3A_15 = arith.divf %concatenate3A, %div3A : vector<512x128xf32>
    %get3A_16 = arith.constant 0 : index
    %get3A_17 = arith.constant 0 : index
    %get3A_18 = vector.load %arg3[%get3A_16, %get3A_17] : memref<512x128xf32, #tpu.memory_space<vmem>>, vector<512x128xf32>
    %add3A = arith.addf %div3A_15, %get3A_18 : vector<512x128xf32>
    %swap3A = arith.constant 0 : index
    %swap3A_19 = arith.constant 0 : index
    %swap3A_20 = vector.load %arg4[%swap3A, %swap3A_19] : memref<512x128xf32, #tpu.memory_space<vmem>>, vector<512x128xf32>
    tpu.vector_store %arg4[%swap3A, %swap3A_19], %add3A {strides = array<i32>} : memref<512x128xf32, #tpu.memory_space<vmem>>, vector<512x128xf32>,
    return
  }
  func.func @transform_0(%arg0: i32) -> (i32, i32, i32) {
    %c0_i32 = arith.constant 0 : i32
    %c0_i32_0 = arith.constant 0 : i32
    %c0_i32_1 = arith.constant 0 : i32
    return %c0_i32, %arg0, %c0_i32_0 : i32, i32, i32
  }
  func.func @transform_1(%arg0: i32) -> (i32, i32) {
    %c0_i32 = arith.constant 0 : i32
    %c0_i32_0 = arith.constant 0 : i32
    %c0_i32_1 = arith.constant 0 : i32
    return %c0_i32, %c0_i32_0 : i32, i32
  }
  func.func @transform_2(%arg0: i32) -> (i32, i32) {
    %c0_i32 = arith.constant 0 : i32
    %c0_i32_0 = arith.constant 0 : i32
    return %arg0, %c0_i32 : i32, i32
  }
  func.func @transform_3(%arg0: i32) -> (i32, i32) {
    %c0_i32 = arith.constant 0 : i32
    %c0_i32_0 = arith.constant 0 : i32
    return %arg0, %c0_i32 : i32, i32
  }
}

</mosaic_0001>

<sc_bundles>
// kernel: kernel.5.cloned.1.call-start
scs
__scs_entry_jumppad:
0x0: {  	(pc) =	sbr.rel $0x88, $3  }
0x1: {  	(tag) =	ssettag $0x0;
	lr =	simm.s32 $0x1  }
0x2: {  	[smem:$0x3F9A] =	sst lr;
	_ =	strace $0xD0000000  }
0x3: {  	_ = 	snop  }
0x4: {  	_ = 	snop  }
0x5: {  	_ = 	snop  }
0x6: {  	_ = 	snop  }
0x7: {  	_ = 	snop  }
__scs_overlays_trampoline_lowered:
0x8: {  	[smem:$0x3FA9] =	sst s0  }
0x9: {  	[smem:$0x3FAA] =	sst s1  }
0xa: {  	[smem:$0x3FAB] =	sst s2  }
0xb: {  	[smem:$0x3FAC] =	sst s3  }
0xc: {  	[smem:$0x3FAD] =	sst s4  }
0xd: {  	[smem:$0x3FAE] =	sst s5  }
0xe: {  	[smem:$0x3FAF] =	sst s6  }
0xf: {  	[smem:$0x3FB0] =	sst s7  }
0x10: {  	[smem:$0x3FB1] =	sst s8  }
0x11: {  	[smem:$0x3FB2] =	sst s9;
	s0 =	simm.s32 @!p0 $0x0  }
0x12: {  	s1 =	sld [smem:$0x3F98];
	s0 =	simm.s32 @p0 $0x1  }
0x13: {  	[smem:$0x3FB3] =	sst s0;
	s0 =	simm.s32 @!p1 $0x0  }
0x14: {  	s2 =	sld [smem:$0x3F97];
	s0 =	simm.s32 @p1 $0x1  }
0x15: {  	[smem:$0x3FB4] =	sst s0;
	s0 =	simm.s32 @!p2 $0x0  }
0x16: {  	s3 =	sld [smem:$0x3FDB];
	s0 =	simm.s32 @p2 $0x1  }
0x17: {  	s4 =	simm.s32 $0x1BF5;
	[smem:$0x3FB6] =	sst s0  }
0x18: {  	s0 =	sld [smem:$0x3F99];
	_ =	swait.ge [sflag:s4], $0x0  }
0x19: {  	s7 =	sld [smem:$0x3F9A]  }
0x1a: {  	s8 =	sadd.s32 $0xFFFFE003, lr  }
0x1b: {  	s9 =	sadd.s32 $0xFFFFFEF7, lr;
	s5 =	simm.s32 $0xFFFFFFFF;
	p2 =	slt.u32 s8, $0xFFFFF086  }
0x1c: {  	p1 =	slt.u32 s9, $0xF7A;
	s5 =	simm.s32 @!p2 $0x0  }
0x1d: {  	s5 =	simm.s32 @p1 $0x1;
	p0 =	seq.s32 s7, s2  }
0x1e: {  	s7 =	smul.u32 @!p0 $0xF7A, s2;
	p2 =	seq.s32 @!p0 s5, $0x0  }
0x1f: {  	s9 =	smul.u32 $0xF7A, s1;
	s8 =	simm.s32 @!p0 $0x1BF5;
	p2 =	por !p2, p0  }
0x20: {  	[sflag:s8] =	ssyncset.s32 @!p0 $0xFFFFF086;
	s6 =	sadd.s32 @!p0 s3, s7;
	s7 =	simm.s32 @!p0 $0x108  }
0x21: {  	s3 =	sadd.s32 s3, s9;
	s6 =	sadd.s32 @!p0 $0x88, s6;
	s7 =	simm.s32 @p2 $0x1082  }
0x22: {  	[simem:s7], [sflag:s8] =	dma.local @!p0 [hbm:s6], $0xF7A  }
0x23: {  	s9 =	sor.u32 $0xD0000000, s2;
	s6 =	simm.s32 $0x108;
	_ =	swait.ge @!p0 [sflag:s8], $0x0  }
0x24: {  	s3 =	sadd.s32 $0x88, s3;
	s6 =	simm.s32 @!p1 $0x1082;
	[sflag:s4] =	ssyncset.s32 $0xFFFFF086  }
0x25: {  	[simem:s6], [sflag:s4] =	dma.local [hbm:s3], $0xF7A  }
0x26: {  	[smem:$0x3F9A] =	sst s1;
	(tag) =	ssettag s2;
	_ =	strace s9  }
0x27: {  	s1 =	sld [smem:$0x3FAA]  }
0x28: {  	s2 =	sld [smem:$0x3FAB]  }
0x29: {  	s4 =	sld [smem:$0x3FAD]  }
0x2a: {  	p0 =	seq.s32 s5, $0x0;
	s5 =	sld [smem:$0x3FAE]  }
0x2b: {  	s6 =	sld [smem:$0x3FAF]  }
0x2c: {  	s7 =	sld [smem:$0x3FB0]  }
0x2d: {  	s3 =	simm.s32 $0x108;
	s8 =	sld [smem:$0x3FB1]  }
0x2e: {  	s3 =	simm.s32 @!p0 $0x1082;
	s9 =	sld [smem:$0x3FB2]  }
0x2f: {  	lr =	sadd.s32 s0, s3;
	s0 =	sld [smem:$0x3FA9]  }
0x30: {  	s3 =	sld [smem:$0x3FAC]  }
0x31: {  	[smem:$0x3FB5] =	sst s10  }
0x32: {  	s10 =	sld [smem:$0x3FB3];
	_ =	sdelay $0x3  }
0x33: {  	p0 =	seq.s32 s10, $0x1;
	s10 =	sld [smem:$0x3FB5];
	_ =	sdelay $0x3  }
0x34: {  	[smem:$0x3FB5] =	sst s10  }
0x35: {  	s10 =	sld [smem:$0x3FB4];
	_ =	sdelay $0x3  }
0x36: {  	p1 =	seq.s32 s10, $0x1;
	s10 =	sld [smem:$0x3FB5];
	_ =	sdelay $0x3  }
0x37: {  	[smem:$0x3FB5] =	sst s10  }
0x38: {  	s10 =	sld [smem:$0x3FB6]  }
0x39: {  	_ = 	snop;
	(pc) =	sbr.ind lr, $3  }
0x3a: {  	_ = 	snop  }
0x3b: {  	_ = 	snop  }
0x3c: {  	p2 =	seq.s32 s10, $0x1;
	s10 =	sld [smem:$0x3FB5]  }
0x3d: {  	_ =	shalt  }
0x3e: {  	_ =	shalt  }
0x3f: {  	_ =	shalt  }
0x40: {  	_ =	shalt  }
0x41: {  	_ =	shalt  }
0x42: {  	_ =	shalt  }
0x43: {  	_ =	shalt  }
0x44: {  	_ =	shalt  }
0x45: {  	_ =	shalt  }
0x46: {  	_ =	shalt  }
0x47: {  	_ =	shalt  }
0x48: {  	_ =	shalt  }
0x49: {  	_ =	shalt  }
0x4a: {  	_ =	shalt  }
0x4b: {  	_ =	shalt  }
0x4c: {  	_ =	shalt  }
0x4d: {  	_ =	shalt  }
0x4e: {  	_ =	shalt  }
0x4f: {  	_ =	shalt  }
0x50: {  	_ =	shalt  }
0x51: {  	_ =	shalt  }
0x52: {  	_ =	shalt  }
0x53: {  	_ =	shalt  }
0x54: {  	_ =	shalt  }
0x55: {  	_ =	shalt  }
0x56: {  	_ =	shalt  }
0x57: {  	_ =	shalt  }
0x58: {  	_ =	shalt  }
0x59: {  	_ =	shalt  }
0x5a: {  	_ =	shalt  }
0x5b: {  	_ =	shalt  }
0x5c: {  	_ =	shalt  }
0x5d: {  	_ =	shalt  }
0x5e: {  	_ =	shalt  }
0x5f: {  	_ =	shalt  }
0x60: {  	_ =	shalt  }
0x61: {  	_ =	shalt  }
0x62: {  	_ =	shalt  }
0x63: {  	_ =	shalt  }
0x64: {  	_ =	shalt  }
0x65: {  	_ =	shalt  }
0x66: {  	_ =	shalt  }
0x67: {  	_ =	shalt  }
0x68: {  	_ =	shalt  }
0x69: {  	_ =	shalt  }
0x6a: {  	_ =	shalt  }
0x6b: {  	_ =	shalt  }
0x6c: {  	_ =	shalt  }
0x6d: {  	_ =	shalt  }
0x6e: {  	_ =	shalt  }
0x6f: {  	_ =	shalt  }
0x70: {  	_ =	shalt  }
0x71: {  	_ =	shalt  }
0x72: {  	_ =	shalt  }
0x73: {  	_ =	shalt  }
0x74: {  	_ =	shalt  }
0x75: {  	_ =	shalt  }
0x76: {  	_ =	shalt  }
0x77: {  	_ =	shalt  }
0x78: {  	_ =	shalt  }
0x79: {  	_ =	shalt  }
0x7a: {  	_ =	shalt  }
0x7b: {  	_ =	shalt  }
0x7c: {  	_ =	shalt  }
0x7d: {  	_ =	shalt  }
0x7e: {  	_ =	shalt  }
0x7f: {  	_ =	shalt  }
0x80: {  	_ =	shalt  }
0x81: {  	_ =	shalt  }
0x82: {  	_ =	shalt  }
0x83: {  	_ =	shalt  }
0x84: {  	_ =	shalt  }
0x85: {  	_ =	shalt  }
0x86: {  	_ =	shalt  }
0x87: {  	_ =	shalt  }
.Lfunc_end0:
.L_simem_size_0:
called_computation_lowered:
.L_overlay_start_0:
0x88: {  	s2 =	sld [smem:$0x3FD9]  }
0x89: {  	s3 =	sld [smem:$0x3FFE];
	_ =	sdelay $0x1  }
0x8a: {  	s1 =	srdreg.scid  }
0x8b: {  	s0 =	sand.u32 $0x1, s1  }
0x8c: {  	s17 =	sshll.u32 s0, $0xA;
	s2 =	sadd.s32 s3, s2  }
0x8d: {  	s2 =	sadd.s32 s2, s17  }
0x8e: {  	[smem:$0x3FC1] =	sst s2  }
0x8f: {  	_ = 	snop  }
0x90: {  	s2 =	sld [smem:$0x3FD0];
	(tm) =	ssettm $0x1  }
0x91: {  	s18 =	sld [smem:$0x3FFB];
	_ =	sdelay $0x3  }
0x92: {  	_ =	strace s18  }
0x93: {  	s3 =	sld [smem:$0x3FFC];
	_ =	sdelay $0x3  }
0x94: {  	_ =	strace s3  }
0x95: {  	s3 =	sld [smem:$0x3FFD];
	_ =	sdelay $0x3  }
0x96: {  	_ =	strace s3  }
0x97: {  	_ =	strace $0x8FFFFFFF  }
0x98: {  	s19 =	sld [smem:$0x3FDB];
	_ =	sdelay $0x1  }
0x99: {  	s4 =	simm.s32 $_scs_section_size  }
0x9a: {  	s5 =	simm.s32 $_size__tile_overlayer_lowered;
	s6 =	simm.s32 $_tile_overlayer_lowered  }
0x9b: {  	s22 =	simm.s32 $0x1BFF;
	s21 =	sshll.u32 s6, $0x1;
	s3 =	sadd.s32 s4, s19  }
0x9c: {  	s7 =	simm.s32 $0x0;
	s20 =	sshll.u32 s5, $0x1;
	s5 =	sadd.s32 s21, s3  }
0x9d: {  	[timem:s7], [sflag:s22] =	dma.local [hbm:s5], s20  }
0x9e: {  	_ =	swait.ge [sflag:s22], s20  }
0x9f: {  	s4 =	ssub.s32 $0x0, s20;
	[sflag:s22] =	ssyncset.done $0x0  }
0xa0: {  	[sflag:s22] =	ssyncadd.s32 s4;
	_ =	sdelay $0x1  }
0xa1: {  	s23 =	simm.s32 $0x1B8B  }
0xa2: {  	_ =	swait.ge [sflag:s23], $0x1  }
0xa3: {  	[sflag:s23] =	ssyncset.done $0x0  }
0xa4: {  	s25 =	simm.s32 $0x1B8E;
	s24 =	sld [smem:$0x3FFE];
	[sflag:s23] =	ssyncadd.s32 $0xFFFFFFFF  }
0xa5: {  	s26 =	simm.s32 $execute0_lowered;
	[smem:$0x3FD2] =	sst s25  }
0xa6: {  	s5 =	sshll.u32 s26, $0x1;
	_ =	strace $0x80000046;
	[dreg:$0x1] =	wrdreg $0xFFFFFFFF  }
0xa7: {  	s28 =	simm.s32 $_size_execute0_lowered;
	s3 =	sadd.s32 s3, s5;
	[dreg:$0x0] =	wrdreg $0x0  }
0xa8: {  	s5 =	sshll.u32 s28, $0x1;
	[dreg:$0x2] =	wrdreg s3  }
0xa9: {  	[dreg:$0x3] =	wrdreg s5  }
0xaa: {  	[dreg:$0x4] =	wrdreg $0xC0  }
0xab: {  	_ =	task [dreg:s7], $0x5FFFF  }
0xac: {  	[dreg:$0x1] =	wrdreg $0xFFFFFFFF  }
0xad: {  	[dreg:$0x0] =	wrdreg $0x60  }
0xae: {  	[dreg:$0x2] =	wrdreg s24  }
0xaf: {  	[dreg:$0x3] =	wrdreg s2  }
0xb0: {  	[dreg:$0x4] =	wrdreg $0x78000  }
0xb1: {  	[dreg:$0x5] =	wrdreg $0x116000  }
0xb2: {  	[dreg:$0x6] =	wrdreg $0x9  }
0xb3: {  	_ =	task.clear_ibuf [dreg:s7], $0x7FFFF;
	_ =	strace $0x90000046  }
0xb4: {  	s29 =	simm.s32 $0x9;
	_ =	strace $0x80000048  }
0xb5: {  	_ =	swait.ge [sflag:s29], $0x1  }
0xb6: {  	[sflag:s29] =	ssyncadd.s32 $0xFFFFFFFF  }
0xb7: {  	_ =	strace $0x90000048  }
0xb8: {  	_ =	sfence  }
0xb9: {  	s30 =	sld [smem:$0x0];
	_ =	sdelay $0x2  }
0xba: {  	s31 =	sshll.u32 s1, $0xD;
	s1 =	sshrl.u32 s1, $0x2  }
0xbb: {  	s3 =	sand.u32 $0x4000, s31;
	s1 =	sadd.s32 s1, s30  }
0xbc: {  	s0 =	sor.u32 s3, s0;
	s1 =	sshll.u32 s1, $0x11  }
0xbd: {  	s0 =	sor.u32 s1, s0  }
0xbe: {  	s0 =	sadd.s32 $0x8F2B, s0  }
0xbf: {  	[sflag:s0] =	ssyncadd.remote.s32 $0x1  }
0xc0: {  	_ =	sfence.sel $0xFFFF  }
0xc1: {  	[dreg:$0x0] =	wrdreg $0xFFFFFFFF;
	(pc) =	sbr.abs _section_cstart, $3  }
0xc2: {  	[dreg:$0x1] =	wrdreg $0xFFFFFFFF  }
0xc3: {  	_ =	task.clear_ibuf [dreg:s7], $0x2FFFF;
	_ =	strace $0x9FFFFFFF  }
0xc4: {  	(tm) =	ssettm $0x7FFFFFFF  }
0xc5: {  	_ =	shalt  }
tec
execute0_lowered:
.L_overlay_start_1:
0x0: {  	(tag) =	ssettag $0x1  }
0x1: {  	s0 =	rddreg [dreg:$0x0]  }
0x2: {  	s1 =	rddreg [dreg:$0x1]  }
0x3: {  	s3 =	rddreg [dreg:$0x2]  }
0x4: {  	s4 =	rddreg [dreg:$0x3]  }
0x5: {  	s2 =	srdreg.scid;
	s5 =	stileid.u32  }
0x6: {  	s18 =	simm.s32 $0x0;
	s17 =	simm.s32 $0x1;
	s20 =	simm.s32 $0x3  }
0x7: {  	s22 =	simm.s32 $0x5000;
	s23 =	simm.s32 $0x800;
	s28 =	simm.s32 $0x2  }
0x8: {  	s29 =	simm.s32 $0xF00;
	s30 =	simm.s32 $0x0;
	s24 =	smul.u32 $0x13C00, s5  }
0x9: {  	s6 =	sand.u32 $0x1, s2;
	[smem:$0x7FF] =	sst s18;
	s12 =	smul.u32 $0x9E00, s5  }
0xa: {  	s26 =	sshll.u32 s5, $0x6;
	s7 =	sshll.u32 s6, $0x6;
	_ =	strace $0x80000047  }
0xb: {  	s9 =	smul.u32 $0x9E000, s6;
	s8 =	sshll.u32 s6, $0x4;
	s13 =	ssub.s32 $0x2, s6  }
0xc: {  	s2 =	sor.u32 s7, s24;
	s7 =	sadd.s32 $0x1000, s0;
	s10 =	sor.u32 s5, s8  }
0xd: {  	s8 =	sadd.s32 $0x32E00, s0;
	s25 =	sshrl.u32 s13, $0x1;
	s16 =	sadd.s32 s12, s3  }
0xe: {  	s31 =	sadd.s32 s12, s4;
	s24 =	simm.s32 $0x80;
	s2 =	sshrl.u32 s2, $0x3  }
0xf: {  	s11 =	sadd.s32 s12, s9;
	s10 =	smul.u32 $0x500, s10;
	s9 =	sadd.s32 $0x32800, s0  }
0x10: {  	s15 =	ssub.s32 s13, s25;
	s12 =	smul.u32 $0x5000, s5;
	s16 =	sshrl.u32 s16, $0x3  }
0x11: {  	s21 =	sshrl.u32 s31, $0x3;
	s25 =	simm.s32 $0x1000;
	s11 =	sshrl.u32 s11, $0x3  }
0x12: {  	s2 =	sadd.s32 s2, s0;
	s15 =	smax.u32 s15, $0x1;
	s14 =	sadd.s32 s11, s0  }
0x13: {  	s0 =	sadd.s32 s10, s0;
	s10 =	sadd.s32 $0xB000, s2;
	s11 =	sor.u32 $0x1C03, s26  }
0x14: {  	s26 =	simm.s32 $0x3000;
	s13 =	sadd.s32 $0x3E200, s14;
	s14 =	sadd.s32 $0x34200, s0  }
.LBB2_1:
0x15: {  	s0 =	simm.s32 $0x8;
	s2 =	simm.s32 $0x10  }
0x16: {  	[spmem:s16@s0], [sflag:s11] =	dma.strided [hbm:s10@s2], $0x13C0, s17, $0x8   }
0x17: {  	_ =	swait.ge [sflag:s20], $0x13C0  }
0x18: {  	[sflag:s20] =	ssyncset.done $0x0  }
0x19: {  	[sflag:s20] =	ssyncadd.s32 $0xFFFFEC40  }
0x1a: {  	[spmem:s21], [sflag:s11] =	dma.local [hbm:s8], $0x13C0  }
0x1b: {  	_ =	swait.ge [sflag:s20], $0x13C0  }
0x1c: {  	[sflag:s20] =	ssyncset.done $0x0  }
0x1d: {  	[sflag:s20] =	ssyncadd.s32 $0xFFFFEC40  }
0x1e: {  	[tilespmem:s22], [sflag:$0x3] =	stream.linear.gather [hbm4b:s9+s18], $0x2800, $0x38;
	[tilespmem:$0x1B400] =	vst v63  }
0x1f: {  	_ =	swait.ge [sflag:s20], $0x2800  }
0x20: {  	[sflag:s20] =	ssyncset.done $0x0  }
0x21: {  	[sflag:s20] =	ssyncadd.s32 $0xFFFFD800  }
0x22: {  	s31 =	simm.s32 $0x0;
	[bflag:$0x0] =	sbarrier.arrive $0xFFFF  }
.LBB2_2:
0x23: {  	s0 =	sshll.u32 s31, $0xB  }
0x24: {  	s0 =	sadd.s32 s12, s0  }
0x25: {  	s0 =	sshrl.u32 s0, $0x3  }
0x26: {  	s2 =	simm.s32 $0x0;
	s18 =	sadd.s32 s1, s0  }
0x27: {  	[tilespmem:s2], [sflag:$0x3] =	stream.linear.gather [hbm4b:s18+s2], $0x800, $0x38;
	[tilespmem:$0x1B400] =	vst v63  }
0x28: {  	_ =	swait.ge [sflag:s20], $0x800  }
0x29: {  	[sflag:s20] =	ssyncset.done $0x0  }
0x2a: {  	s0 =	sadd.s32 s7, s0;
	[sflag:s20] =	ssyncadd.s32 $0xFFFFF800  }
0x2b: {  	[tilespmem:s23], [sflag:$0x3] =	stream.linear.gather [hbm4b:s0+s2], $0x800, $0x38;
	[tilespmem:$0x1B400] =	vst v63  }
0x2c: {  	_ =	swait.ge [sflag:s20], $0x800  }
0x2d: {  	[sflag:s20] =	ssyncset.done $0x0  }
0x2e: {  	s19 =	sand.u32 $0x1, s31;
	[sflag:s20] =	ssyncadd.s32 $0xFFFFF800  }
0x2f: {  	[tilespmem:s25], [sflag:$0x1] =	stream.indirect.gather [spmem:s3], $0x40, s2, s24, $0xb8;
	[tilespmem:$0x1B400] =	vst v63  }
0x30: {  	p0 =	sne.s32 s19, s6  }
0x31: {  	[tilespmem:s26], [sflag:$0x2] =	stream.indirect.gather [spmem:s3], $0x40, s24, s24, $0xb8;
	[tilespmem:$0x1B400] =	vst v63  }
.LBB2_3:
0x32: {  	_ =	swait.ge [sflag:s17], $0x2000  }
0x33: {  	s18 =	sshra.s32 s2, $0x2;
	[sflag:s17] =	ssyncset.done $0x0  }
0x34: {  	s0 =	sadd.s32 $0x800, s18;
	[sflag:s17] =	ssyncadd.s32 $0xFFFFE000  }
0x35: {  	[spmem:s4] =	stream.indirect.scatter.add.f32 [tilespmem:s25], [sflag:$0x3], $0x40, s0, s24, $0xb8;
	[tilespmem:$0x1B400] =	vst v63  }
0x36: {  	_ =	swait.ge [sflag:s20], $0x2000  }
0x37: {  	[sflag:s20] =	ssyncset.done $0x0  }
0x38: {  	s19 =	sshra.s32 @!p0 s2, $0x2;
	[sflag:s20] =	ssyncadd.s32 $0xFFFFE000  }
0x39: {  	v1 =	vld @!p0 [tilespmem:s19+$0x800];
	_ =	sdelay $0x6  }
0x3a: {  	v0 =	vimm.f32 @!p0 $1.000000000e+00;
	s0 =	simm.s32 @!p0 $0x5000  }
0x3b: {  	[tilespmem:v1+s0+$0x0] =	vst.idx.add.f32.msk @!p0 $0xffff, v0  }
0x3c: {  	v1 =	vld @!p0 [tilespmem:s19+$0x810];
	_ =	sdelay $0x7  }
0x3d: {  	[tilespmem:v1+s0+$0x0] =	vst.idx.add.f32.msk @!p0 $0xffff, v0  }
0x3e: {  	v1 =	vld @!p0 [tilespmem:s19+$0x820];
	_ =	sdelay $0x7  }
0x3f: {  	[tilespmem:v1+s0+$0x0] =	vst.idx.add.f32.msk @!p0 $0xffff, v0  }
0x40: {  	v1 =	vld @!p0 [tilespmem:s19+$0x830];
	_ =	sdelay $0x7  }
0x41: {  	[tilespmem:v1+s0+$0x0] =	vst.idx.add.f32.msk @!p0 $0xffff, v0  }
0x42: {  	v1 =	vld @!p0 [tilespmem:s19+$0x840];
	_ =	sdelay $0x7  }
0x43: {  	[tilespmem:v1+s0+$0x0] =	vst.idx.add.f32.msk @!p0 $0xffff, v0  }
0x44: {  	v1 =	vld @!p0 [tilespmem:s19+$0x850];
	_ =	sdelay $0x7  }
0x45: {  	[tilespmem:v1+s0+$0x0] =	vst.idx.add.f32.msk @!p0 $0xffff, v0  }
0x46: {  	v1 =	vld @!p0 [tilespmem:s19+$0x860];
	_ =	sdelay $0x7  }
0x47: {  	[tilespmem:v1+s0+$0x0] =	vst.idx.add.f32.msk @!p0 $0xffff, v0  }
0x48: {  	v1 =	vld @!p0 [tilespmem:s19+$0x870];
	_ =	sdelay $0x7  }
0x49: {  	s5 =	sadd.s32 $0x100, s18;
	[tilespmem:v1+s0+$0x0] =	vst.idx.add.f32.msk @!p0 $0xffff, v0  }
0x4a: {  	[tilespmem:s25], [sflag:$0x1] =	stream.indirect.gather [spmem:s3], $0x40, s5, s24, $0xb8;
	[tilespmem:$0x1B400] =	vst v63  }
0x4b: {  	_ =	swait.ge [sflag:s28], $0x2000  }
0x4c: {  	[sflag:s28] =	ssyncset.done $0x0  }
0x4d: {  	s5 =	sadd.s32 $0x880, s18;
	[sflag:s28] =	ssyncadd.s32 $0xFFFFE000  }
0x4e: {  	[spmem:s4] =	stream.indirect.scatter.add.f32 [tilespmem:s26], [sflag:$0x3], $0x40, s5, s24, $0xb8;
	[tilespmem:$0x1B400] =	vst v63  }
0x4f: {  	_ =	swait.ge [sflag:s20], $0x2000  }
0x50: {  	[sflag:s20] =	ssyncset.done $0x0  }
0x51: {  	[sflag:s20] =	ssyncadd.s32 $0xFFFFE000  }
0x52: {  	v1 =	vld @!p0 [tilespmem:s18+$0x880];
	_ =	sdelay $0x7  }
0x53: {  	[tilespmem:v1+s0+$0x0] =	vst.idx.add.f32.msk @!p0 $0xffff, v0  }
0x54: {  	v1 =	vld @!p0 [tilespmem:s19+$0x890];
	_ =	sdelay $0x7  }
0x55: {  	[tilespmem:v1+s0+$0x0] =	vst.idx.add.f32.msk @!p0 $0xffff, v0  }
0x56: {  	v1 =	vld @!p0 [tilespmem:s19+$0x8A0];
	_ =	sdelay $0x7  }
0x57: {  	[tilespmem:v1+s0+$0x0] =	vst.idx.add.f32.msk @!p0 $0xffff, v0  }
0x58: {  	v1 =	vld @!p0 [tilespmem:s19+$0x8B0];
	_ =	sdelay $0x7  }
0x59: {  	[tilespmem:v1+s0+$0x0] =	vst.idx.add.f32.msk @!p0 $0xffff, v0  }
0x5a: {  	v1 =	vld @!p0 [tilespmem:s19+$0x8C0];
	_ =	sdelay $0x7  }
0x5b: {  	[tilespmem:v1+s0+$0x0] =	vst.idx.add.f32.msk @!p0 $0xffff, v0  }
0x5c: {  	v1 =	vld @!p0 [tilespmem:s19+$0x8D0];
	_ =	sdelay $0x7  }
0x5d: {  	[tilespmem:v1+s0+$0x0] =	vst.idx.add.f32.msk @!p0 $0xffff, v0  }
0x5e: {  	v1 =	vld @!p0 [tilespmem:s19+$0x8E0];
	_ =	sdelay $0x7  }
0x5f: {  	[tilespmem:v1+s0+$0x0] =	vst.idx.add.f32.msk @!p0 $0xffff, v0  }
0x60: {  	v1 =	vld @!p0 [tilespmem:s19+$0x8F0];
	_ =	sdelay $0x2  }
0x61: {  	s2 =	sadd.s32 $0x400, s2  }
0x62: {  	p1 =	sne.s32 s2, $0x1C00  }
.Ltmp0:
0x63: {  	_ = 	snop;
	(pc) =	sbr.rel @p1 .LBB2_3-.Ltmp0, $3  }
0x64: {  	_ =	sdelay $0x1  }
0x65: {  	s19 =	sadd.s32 $0x180, s18;
	[tilespmem:v1+s0+$0x0] =	vst.idx.add.f32.msk @!p0 $0xffff, v0  }
0x66: {  	[tilespmem:s26], [sflag:$0x2] =	stream.indirect.gather [spmem:s3], $0x40, s19, s24, $0xb8;
	[tilespmem:$0x1B400] =	vst v63  }
0x67: {  	_ =	swait.ge [sflag:s17], $0x2000  }
0x68: {  	[sflag:s17] =	ssyncset.done $0x0  }
0x69: {  	[sflag:s17] =	ssyncadd.s32 $0xFFFFE000  }
0x6a: {  	[spmem:s4] =	stream.indirect.scatter.add.f32 [tilespmem:s25], [sflag:$0x3], $0x40, s29, s24, $0xb8;
	[tilespmem:$0x1B400] =	vst v63  }
0x6b: {  	_ =	swait.ge [sflag:s20], $0x2000  }
0x6c: {  	[sflag:s20] =	ssyncset.done $0x0  }
0x6d: {  	s2 =	simm.s32 @p0 $0x2;
	[sflag:s20] =	ssyncadd.s32 $0xFFFFE000  }
0x6e: {  	_ =	swait.ge @p0 [sflag:s2], $0x2000  }
0x6f: {  	s5 =	simm.s32 @p0 $0xF80;
	[sflag:s2] =	ssyncset.done @p0 $0x0  }
0x70: {  	s18 =	simm.s32 @p0 $0x3000;
	[sflag:s2] =	ssyncadd.s32 @p0 $0xFFFFE000;
	s2 =	simm.s32 @p0 $0x80  }
0x71: {  	[spmem:s4] =	stream.indirect.scatter.add.f32 @p0 [tilespmem:s18], [sflag:$0x3], $0x40, s5, s2, $0xb8;
	[tilespmem:$0x1B400] =	vst v63  }
0x72: {  	s2 =	simm.s32 @p0 $0x3  }
0x73: {  	_ =	swait.ge @p0 [sflag:s2], $0x2000  }
0x74: {  	[sflag:s2] =	ssyncset.done @p0 $0x0  }
0x75: {  	[sflag:s2] =	ssyncadd.s32 @p0 $0xFFFFE000  }
0x76: {  	v1 =	vld @!p0 [tilespmem:$0xF00];
	_ =	sdelay $0x7  }
0x77: {  	[tilespmem:v1+s0+$0x0] =	vst.idx.add.f32.msk @!p0 $0xffff, v0  }
0x78: {  	v1 =	vld @!p0 [tilespmem:$0xF10];
	_ =	sdelay $0x7  }
0x79: {  	[tilespmem:v1+s0+$0x0] =	vst.idx.add.f32.msk @!p0 $0xffff, v0  }
0x7a: {  	v1 =	vld @!p0 [tilespmem:$0xF20];
	_ =	sdelay $0x7  }
0x7b: {  	[tilespmem:v1+s0+$0x0] =	vst.idx.add.f32.msk @!p0 $0xffff, v0  }
0x7c: {  	v1 =	vld @!p0 [tilespmem:$0xF30];
	_ =	sdelay $0x7  }
0x7d: {  	[tilespmem:v1+s0+$0x0] =	vst.idx.add.f32.msk @!p0 $0xffff, v0  }
0x7e: {  	v1 =	vld @!p0 [tilespmem:$0xF40];
	_ =	sdelay $0x7  }
0x7f: {  	[tilespmem:v1+s0+$0x0] =	vst.idx.add.f32.msk @!p0 $0xffff, v0  }
0x80: {  	v1 =	vld @!p0 [tilespmem:$0xF50];
	_ =	sdelay $0x7  }
0x81: {  	[tilespmem:v1+s0+$0x0] =	vst.idx.add.f32.msk @!p0 $0xffff, v0  }
0x82: {  	v1 =	vld @!p0 [tilespmem:$0xF60];
	_ =	sdelay $0x7  }
0x83: {  	[tilespmem:v1+s0+$0x0] =	vst.idx.add.f32.msk @!p0 $0xffff, v0  }
0x84: {  	v1 =	vld @!p0 [tilespmem:$0xF70];
	_ =	sdelay $0x7  }
0x85: {  	s2 =	simm.s32 @!p0 $0x2;
	[tilespmem:v1+s0+$0x0] =	vst.idx.add.f32.msk @!p0 $0xffff, v0  }
0x86: {  	_ =	swait.ge @!p0 [sflag:s2], $0x2000  }
0x87: {  	s5 =	simm.s32 @!p0 $0xF80;
	[sflag:s2] =	ssyncset.done @!p0 $0x0  }
0x88: {  	s18 =	simm.s32 @!p0 $0x3000;
	[sflag:s2] =	ssyncadd.s32 @!p0 $0xFFFFE000;
	s2 =	simm.s32 @!p0 $0x80  }
0x89: {  	[spmem:s4] =	stream.indirect.scatter.add.f32 @!p0 [tilespmem:s18], [sflag:$0x3], $0x40, s5, s2, $0xb8;
	[tilespmem:$0x1B400] =	vst v63  }
0x8a: {  	s2 =	simm.s32 @!p0 $0x3  }
0x8b: {  	_ =	swait.ge @!p0 [sflag:s2], $0x2000  }
0x8c: {  	[sflag:s2] =	ssyncset.done @!p0 $0x0  }
0x8d: {  	[sflag:s2] =	ssyncadd.s32 @!p0 $0xFFFFE000  }
0x8e: {  	v1 =	vld @!p0 [tilespmem:$0xF80];
	_ =	sdelay $0x7  }
0x8f: {  	[tilespmem:v1+s0+$0x0] =	vst.idx.add.f32.msk @!p0 $0xffff, v0  }
0x90: {  	v1 =	vld @!p0 [tilespmem:$0xF90];
	_ =	sdelay $0x7  }
0x91: {  	[tilespmem:v1+s0+$0x0] =	vst.idx.add.f32.msk @!p0 $0xffff, v0  }
0x92: {  	v1 =	vld @!p0 [tilespmem:$0xFA0];
	_ =	sdelay $0x7  }
0x93: {  	[tilespmem:v1+s0+$0x0] =	vst.idx.add.f32.msk @!p0 $0xffff, v0  }
0x94: {  	v1 =	vld @!p0 [tilespmem:$0xFB0];
	_ =	sdelay $0x7  }
0x95: {  	[tilespmem:v1+s0+$0x0] =	vst.idx.add.f32.msk @!p0 $0xffff, v0  }
0x96: {  	v1 =	vld @!p0 [tilespmem:$0xFC0];
	_ =	sdelay $0x7  }
0x97: {  	[tilespmem:v1+s0+$0x0] =	vst.idx.add.f32.msk @!p0 $0xffff, v0  }
0x98: {  	v1 =	vld @!p0 [tilespmem:$0xFD0];
	_ =	sdelay $0x7  }
0x99: {  	[tilespmem:v1+s0+$0x0] =	vst.idx.add.f32.msk @!p0 $0xffff, v0  }
0x9a: {  	v1 =	vld @!p0 [tilespmem:$0xFE0];
	_ =	sdelay $0x7  }
0x9b: {  	[tilespmem:v1+s0+$0x0] =	vst.idx.add.f32.msk @!p0 $0xffff, v0  }
0x9c: {  	v1 =	vld @!p0 [tilespmem:$0xFF0];
	_ =	sdelay $0x1  }
0x9d: {  	s31 =	sadd.s32 $0x1, s31  }
0x9e: {  	p1 =	sne.s32 s31, $0xA  }
.Ltmp1:
0x9f: {  	_ = 	snop;
	(pc) =	sbr.rel @p1 .LBB2_2-.Ltmp1, $2  }
0xa0: {  	_ =	sdelay $0x2  }
0xa1: {  	[tilespmem:v1+s0+$0x0] =	vst.idx.add.f32.msk @!p0 $0xffff, v0  }
0xa2: {  	[bflag:$0x0] =	sbarrier.arrive $0xFFFF  }
0xa3: {  	[hbm:s13], [sflag:s11] =	dma.local [spmem:s21], $0x13C0  }
0xa4: {  	s30 =	sadd.s32 $0x1, s30;
	_ =	swait.ge [sflag:s20], $0x13C0  }
0xa5: {  	p0 =	sne.s32 s30, s15;
	[sflag:s20] =	ssyncset.done $0x0  }
.Ltmp2:
0xa6: {  	s18 =	simm.s32 $0x0;
	[sflag:s20] =	ssyncadd.s32 $0xFFFFEC40;
	(pc) =	sbr.rel @p0 .LBB2_1-.Ltmp2, $4  }
0xa7: {  	[hbm4b:s14+s18] =	stream.linear.scatter [tilespmem:s22], [sflag:$0x3], $0x2800, $0x38;
	[tilespmem:$0x1B400] =	vst v63  }
0xa8: {  	_ =	swait.ge [sflag:s20], $0x2800  }
0xa9: {  	[sflag:s20] =	ssyncset.done $0x0  }
0xaa: {  	[sflag:s20] =	ssyncadd.s32 $0xFFFFD800  }
0xab: {  	_ =	sfence.sel $0x180000  }
0xac: {  	[bflag:$0x0] =	sbarrier.arrive $0xFFFF  }
0xad: {  	_ =	strace $0x90000047  }
0xae: {  	s0 =	stileid.u32;
	[bflag:$0x2] =	sbarrier.arrive $0xFFFF  }
0xaf: {  	p0 =	sne.s32 s0, $0x0;
	s0 =	rddreg [dreg:$0x4]  }
0xb0: {  	s0 =	sadd.s32 @!p0 $0x100000, s0  }
0xb1: {  	[sflag:s0] =	ssyncadd.tile.s32 @!p0 $0x1;
	_ =	shalt  }
.Lfunc_end2:
_tile_overlayer_lowered:
.L_overlay_start_2:
0xb2: {  	(tag) =	ssettag $0x2  }
0xb3: {  	s0 =	rddreg [dreg:$0x0];
	s2 =	stileid.u32  }
0xb4: {  	s1 =	rddreg [dreg:$0x1];
	p0 =	sne.s32 s2, $0x0  }
0xb5: {  	s3 =	rddreg [dreg:$0x2];
	[bflag:$0x3] =	sbarrier.arrive $0xFFFF;
	s2 =	simm.s32 @!p0 $0x1C03  }
0xb6: {  	[timem:s3], [sflag:s2] =	dma.local @!p0 [hbm:s0], s1  }
0xb7: {  	s0 =	simm.s32 @!p0 $0x3  }
0xb8: {  	_ =	swait.ge @!p0 [sflag:s0], s1  }
0xb9: {  	s1 =	ssub.s32 @!p0 $0x0, s1;
	[sflag:s0] =	ssyncset.done @!p0 $0x0  }
0xba: {  	[sflag:s0] =	ssyncadd.s32 @!p0 s1  }
0xbb: {  	[bflag:$0x3] =	sbarrier.arrive $0xFFFF  }
0xbc: {  	_ =	shalt  }

</sc_bundles>
